<compile_context>
chip_gen: v7x
topology: tpu7x:2x2x1
jax: 0.10.2.dev20260603
libtpu: 0.0.44.dev20260713+nightly
codegen_flags: <defaults>
</compile_context>

<pallas_src>
import functools
import math

import jax
import jax.numpy as jnp
from jax import lax
from jax.experimental import pallas as pl
from jax.experimental.pallas import tpu as pltpu
from jax.experimental.pallas import tpu_sc as plsc

TBLK = 1024


def _pack_bf16(a, b):
    au = lax.bitcast_convert_type(a, jnp.uint32)
    bu = lax.bitcast_convert_type(b, jnp.uint32)
    packed = ((au + 0x8000) >> 16) | ((bu + 0x8000) & jnp.uint32(0xFFFF0000))
    return lax.bitcast_convert_type(packed, jnp.int32)


def _unpack_bf16(p):
    lo = lax.bitcast_convert_type(p << 16, jnp.float32)
    hi = lax.bitcast_convert_type(p & jnp.int32(-65536), jnp.float32)
    return lo, hi


def _gate_body(C, E, x_ref, wg_ref, sidx_ref, gidx_ref, g_ref, xpack_ref,
               counts_ref, carry_ref, e_stash_ref, g_stash_ref, tri_ref):
    j = pl.program_id(0)
    b = pl.program_id(1)
    T = e_stash_ref.shape[0] // 2
    D2 = xpack_ref.shape[1]

    @pl.when(jnp.logical_and(j == 0, b == 0))
    def _():
        carry_ref[...] = jnp.zeros_like(carry_ref)
        r0 = lax.broadcasted_iota(jnp.int32, (TBLK, TBLK), 0)
        r1 = lax.broadcasted_iota(jnp.int32, (TBLK, TBLK), 1)
        tri_ref[...] = (r1 <= r0).astype(jnp.float32)

    xb = x_ref[...]
    xpack_ref[...] = _pack_bf16(xb[:, :D2], xb[:, D2:])

    @pl.when(j == 0)
    def _():
        logits = jnp.dot(xb, wg_ref[...], preferred_element_type=jnp.float32)
        m = jnp.max(logits, axis=1, keepdims=True)
        p = jnp.exp(logits - m)
        probs = p / jnp.sum(p, axis=1, keepdims=True)

        lane = lax.broadcasted_iota(jnp.int32, (TBLK, E), 1)
        v1 = jnp.max(probs, axis=1, keepdims=True)
        i1 = jnp.min(jnp.where(probs == v1, lane, E), axis=1, keepdims=True)
        probs2 = jnp.where(lane == i1, -1.0, probs)
        v2 = jnp.max(probs2, axis=1, keepdims=True)
        i2 = jnp.min(jnp.where(probs2 == v2, lane, E), axis=1, keepdims=True)
        ssum = v1 + v2
        e_stash_ref[pl.ds(b * TBLK, TBLK), :] = i1
        g_stash_ref[pl.ds(b * TBLK, TBLK), :] = v1 / ssum
        e_stash_ref[pl.ds(T + b * TBLK, TBLK), :] = i2
        g_stash_ref[pl.ds(T + b * TBLK, TBLK), :] = v2 / ssum

    e_t = e_stash_ref[pl.ds(j * T + b * TBLK, TBLK), :]
    g_t = g_stash_ref[pl.ds(j * T + b * TBLK, TBLK), :]

    lane = lax.broadcasted_iota(jnp.int32, (TBLK, E), 1)
    onehot = (lane == e_t).astype(jnp.float32)
    incl = jnp.dot(tri_ref[...], onehot, preferred_element_type=jnp.float32)
    carry_old = carry_ref[...]
    pos_mat = incl - onehot + carry_old
    pos_t = jnp.sum(pos_mat * onehot, axis=1, keepdims=True)
    valid = pos_t < float(C)
    carry_ref[...] = carry_old + jnp.sum(
        onehot * valid.astype(jnp.float32), axis=0, keepdims=True)

    pos_i = pos_t.astype(jnp.int32)
    lidx = e_t * C + pos_i
    sidx_ref[...] = jnp.where(valid, lidx, E * C).reshape(1, TBLK, 1)
    gidx_ref[...] = jnp.where(valid, lidx, 0).reshape(1, TBLK, 1)
    g_ref[...] = jnp.where(valid, g_t, 0.0).reshape(1, TBLK, 1)
    counts_ref[...] = carry_ref[...].astype(jnp.int32)


def _gate(x, wg, C, K):
    T, D = x.shape
    E = wg.shape[1]
    NB = T // TBLK
    sidx3, gidx3, gates, xpack, counts2 = pl.pallas_call(
        functools.partial(_gate_body, C, E),
        grid=(K, NB),
        in_specs=[
            pl.BlockSpec((TBLK, D), lambda j, b: (b, 0)),
            pl.BlockSpec((D, E), lambda j, b: (0, 0)),
        ],
        out_specs=[
            pl.BlockSpec((1, TBLK, 1), lambda j, b: (j * NB + b, 0, 0)),
            pl.BlockSpec((1, TBLK, 1), lambda j, b: (j * NB + b, 0, 0)),
            pl.BlockSpec((1, TBLK, 1), lambda j, b: (j * NB + b, 0, 0)),
            pl.BlockSpec((TBLK, D // 2), lambda j, b: (b, 0)),
            pl.BlockSpec((1, E), lambda j, b: (0, 0)),
        ],
        out_shape=[
            jax.ShapeDtypeStruct((K * NB, TBLK, 1), jnp.int32),
            jax.ShapeDtypeStruct((K * NB, TBLK, 1), jnp.int32),
            jax.ShapeDtypeStruct((K * NB, TBLK, 1), jnp.float32),
            jax.ShapeDtypeStruct((T, D // 2), jnp.int32),
            jax.ShapeDtypeStruct((1, E), jnp.int32),
        ],
        scratch_shapes=[
            pltpu.VMEM((1, E), jnp.float32),
            pltpu.VMEM((2 * T, 1), jnp.int32),
            pltpu.VMEM((2 * T, 1), jnp.float32),
            pltpu.VMEM((TBLK, TBLK), jnp.float32),
        ],
        compiler_params=pltpu.CompilerParams(
            dimension_semantics=("arbitrary", "arbitrary")),
    )(x, wg)
    return (sidx3.reshape(K * T), gidx3.reshape(K * T),
            gates.reshape(K * T, 1), xpack, counts2.reshape(E))


def _sc_dispatch(x, sidx, n_rows):
    T, D = x.shape
    B = sidx.shape[0]
    NW = 32
    b_per_w = B // NW
    mesh = plsc.VectorSubcoreMesh(core_axis_name="c", subcore_axis_name="s")

    hw = b_per_w // 2

    @functools.partial(
        pl.kernel,
        mesh=mesh,
        out_type=jax.ShapeDtypeStruct((n_rows, D), x.dtype),
        scratch_types=[
            pltpu.VMEM((hw,), jnp.int32),
            pltpu.VMEM((hw,), jnp.int32),
            pltpu.VMEM((hw, D), x.dtype),
            pltpu.VMEM((hw, D), x.dtype),
            pltpu.SemaphoreType.DMA,
            pltpu.SemaphoreType.DMA,
        ],
    )
    def k(x_hbm, sidx_hbm, xe_hbm, i0, i1, ra, rb, s0, s1):
        wid = lax.axis_index("s") * 2 + lax.axis_index("c")
        base = wid * b_per_w
        tbase = lax.rem(base, T)
        ca = pltpu.async_copy(x_hbm.at[pl.ds(tbase, hw)], ra, s0)
        cb = pltpu.async_copy(x_hbm.at[pl.ds(tbase + hw, hw)], rb, s1)
        pltpu.sync_copy(sidx_hbm.at[pl.ds(base, hw)], i0)
        pltpu.sync_copy(sidx_hbm.at[pl.ds(base + hw, hw)], i1)
        ca.wait()
        wa = pltpu.async_copy(ra, xe_hbm.at[i0], s0)
        cb.wait()
        wb = pltpu.async_copy(rb, xe_hbm.at[i1], s1)
        wa.wait()
        wb.wait()

    return k(x, sidx)


def _sc_gather(ye, gidx):
    D = ye.shape[1]
    B = gidx.shape[0]
    NW = 32
    b_per_w = B // NW
    mesh = plsc.VectorSubcoreMesh(core_axis_name="c", subcore_axis_name="s")

    hw = b_per_w // 2

    @functools.partial(
        pl.kernel,
        mesh=mesh,
        out_type=jax.ShapeDtypeStruct((B, D), ye.dtype),
        scratch_types=[
            pltpu.VMEM((hw,), jnp.int32),
            pltpu.VMEM((hw,), jnp.int32),
            pltpu.VMEM((hw, D), ye.dtype),
            pltpu.VMEM((hw, D), ye.dtype),
            pltpu.SemaphoreType.DMA,
            pltpu.SemaphoreType.DMA,
        ],
    )
    def k(ye_hbm, gidx_hbm, out_hbm, i0, i1, ra, rb, s0, s1):
        wid = lax.axis_index("s") * 2 + lax.axis_index("c")
        base = wid * b_per_w
        pltpu.sync_copy(gidx_hbm.at[pl.ds(base, hw)], i0)
        pltpu.sync_copy(gidx_hbm.at[pl.ds(base + hw, hw)], i1)
        ga = pltpu.async_copy(ye_hbm.at[i0], ra, s0)
        gb = pltpu.async_copy(ye_hbm.at[i1], rb, s1)
        ga.wait()
        wa = pltpu.async_copy(ra, out_hbm.at[pl.ds(base, hw)], s0)
        gb.wait()
        wb = pltpu.async_copy(rb, out_hbm.at[pl.ds(base + hw, hw)], s1)
        wa.wait()
        wb.wait()

    return k(ye, gidx)


def _ffn_body(C, EG, counts_sref, xe_ref, w1_ref, b1_ref, w2_ref, b2_ref,
              ye_ref):
    e = pl.program_id(0)
    row = lax.broadcasted_iota(jnp.int32, (C, 1), 0)
    D2 = ye_ref.shape[1]
    for k in range(EG):
        cnt = counts_sref[e * EG + k]
        xlo, xhi = _unpack_bf16(xe_ref[pl.ds(k * C, C), :])
        xb = jnp.concatenate([xlo, xhi], axis=1)
        xb = jnp.where(row < cnt, xb, 0.0)
        h = (jnp.dot(xb, w1_ref[k], preferred_element_type=jnp.float32) +
             b1_ref[k])
        h = 0.5 * h * (1.0 + lax.erf(h * (1.0 / math.sqrt(2.0))))
        y = (jnp.dot(h, w2_ref[k], preferred_element_type=jnp.float32) +
             b2_ref[k])
        ye_ref[pl.ds(k * C, C), :] = _pack_bf16(y[:, :D2], y[:, D2:])


def _ffn(counts, xe, W1, b1, W2, b2, C, EG=1):
    E, D, F = W1.shape
    grid_spec = pltpu.PrefetchScalarGridSpec(
        num_scalar_prefetch=1,
        grid=(E // EG,),
        in_specs=[
            pl.BlockSpec((EG * C, D // 2), lambda e, counts: (e, 0)),
            pl.BlockSpec((EG, D, F), lambda e, counts: (e, 0, 0)),
            pl.BlockSpec((EG, 1, F), lambda e, counts: (e, 0, 0)),
            pl.BlockSpec((EG, F, D), lambda e, counts: (e, 0, 0)),
            pl.BlockSpec((EG, 1, D), lambda e, counts: (e, 0, 0)),
        ],
        out_specs=pl.BlockSpec((EG * C, D // 2), lambda e, counts: (e, 0)),
    )
    return pl.pallas_call(
        functools.partial(_ffn_body, C, EG),
        grid_spec=grid_spec,
        out_shape=jax.ShapeDtypeStruct((E * C, D // 2), jnp.int32),
        compiler_params=pltpu.CompilerParams(
            dimension_semantics=("arbitrary",)),
    )(counts, xe, W1, b1.reshape(E, 1, F), W2, b2.reshape(E, 1, D))


def _wadd_body(ya_ref, yb_ref, g0_ref, g1_ref, y_ref):
    alo, ahi = _unpack_bf16(ya_ref[...])
    blo, bhi = _unpack_bf16(yb_ref[...])
    g0 = g0_ref[...]
    g1 = g1_ref[...]
    y_ref[...] = jnp.concatenate(
        [g0 * alo + g1 * blo, g0 * ahi + g1 * bhi], axis=1)


def _wadd(yab, gates, T, D):
    WB = 1024
    NB = T // WB
    return pl.pallas_call(
        _wadd_body,
        grid=(NB,),
        in_specs=[
            pl.BlockSpec((WB, D // 2), lambda b: (b, 0)),
            pl.BlockSpec((WB, D // 2), lambda b: (NB + b, 0)),
            pl.BlockSpec((WB, 1), lambda b: (b, 0)),
            pl.BlockSpec((WB, 1), lambda b: (NB + b, 0)),
        ],
        out_specs=pl.BlockSpec((WB, D), lambda b: (b, 0)),
        out_shape=jax.ShapeDtypeStruct((T, D), jnp.float32),
    )(yab, yab, gates, gates)


def kernel(x, wg, W1, b1, W2, b2):
    T, D = x.shape
    E, _, F = W1.shape
    K = 2
    C = int(math.ceil(K * T / E * 1.25))

    sidx, gidx, gates, xpack, counts = _gate(x, wg, C, K)
    xe = _sc_dispatch(xpack, sidx, (E + 2) * C)
    ye = _ffn(counts, xe, W1, b1, W2, b2, C)
    yab = _sc_gather(ye, gidx)
    return _wadd(yab, gates, T, D)

# --- scband reference (transcript-rebuilt; emitter-appended) ---
"""Pipeline reference for scband-mo-eblock-75634374083060 (READ-ONLY COPY).

The authoritative reference and input builder live on the scoring server;
editing this copy changes nothing except your own understanding.
"""

import jax, jax.numpy as jnp
import numpy as np

T, D, F, E, K = 2048, 768, 1024, 64, 2
CAP_FACTOR = 1.25


def setup_inputs(seed: int = 0) -> dict:
    key = jax.random.key(seed)
    ks = jax.random.split(key, 5)
    x = jax.random.normal(ks[0], (T, D), dtype=jnp.float32)
    wg = jax.random.normal(ks[1], (D, E), dtype=jnp.float32) * 0.02
    W1 = jax.random.normal(ks[2], (E, D, F), dtype=jnp.float32) * 0.02
    b1 = jnp.zeros((E, F), dtype=jnp.float32)
    W2 = jax.random.normal(ks[3], (E, F, D), dtype=jnp.float32) * 0.02
    b2 = jnp.zeros((E, D), dtype=jnp.float32)
    return {"x": x, "wg": wg, "W1": W1, "b1": b1, "W2": W2, "b2": b2}


def _moe_forward(x, wg, W1, b1, W2, b2):
    Tn, Dn = x.shape
    En = W1.shape[0]
    C = int(np.ceil(K * Tn / En * CAP_FACTOR))
    # --- Top-2 gate (tutel TopKGate) ---
    logits = x @ wg
    probs = jax.nn.softmax(logits, axis=-1)
    topv, topi = jax.lax.top_k(probs, K)
    gates = topv / jnp.sum(topv, axis=-1, keepdims=True)
    # --- capacity-based dispatch: assign each (token, slot) a position in its expert buffer ---
    counts = jnp.zeros((En,), jnp.float32)
    token_ids = jnp.zeros((En, C), jnp.int32)
    gate_ec = jnp.zeros((En, C), jnp.float32)
    fill_ec = jnp.zeros((En, C), jnp.float32)
    tok = jnp.arange(Tn, dtype=jnp.int32)
    for j in range(K):
        e = topi[:, j]
        mask = jax.nn.one_hot(e, En, dtype=jnp.float32)
        pos_f = jnp.cumsum(mask, axis=0) - 1.0 + counts[None, :]
        pos_t = jnp.sum(pos_f * mask, axis=1)
        valid = pos_t < C
        pos_safe = jnp.where(valid, pos_t, C).astype(jnp.int32)  # C = out of range -> dropped
        token_ids = token_ids.at[e, pos_safe].set(tok, mode='drop')
        gate_ec = gate_ec.at[e, pos_safe].set(gates[:, j], mode='drop')
        fill_ec = fill_ec.at[e, pos_safe].set(1.0, mode='drop')
        counts = counts + jnp.sum(mask * valid[:, None].astype(jnp.float32), axis=0)
    # --- dispatch (gather), expert FFN, combine (scatter-add) ---
    xe = jnp.take(x, token_ids, axis=0) * fill_ec[:, :, None]          # [E, C, D]
    h = jax.nn.gelu(jnp.einsum('ecd,edf->ecf', xe, W1) + b1[:, None, :], approximate=False)
    ye = jnp.einsum('ecf,efd->ecd', h, W2) + b2[:, None, :]            # [E, C, D]
    y = jnp.zeros((Tn, Dn), jnp.float32).at[token_ids.reshape(-1)].add(
        (gate_ec[:, :, None] * ye).reshape(En * C, Dn))
    return y


def reference(x, wg, W1, b1, W2, b2):
    return _moe_forward(x, wg, W1, b1, W2, b2)

if __name__ == "__main__":
    import jax
    _d = setup_inputs()
    print(jax.jit(kernel)(*tuple(_d.values())))

</pallas_src>

<mosaic_0001>
#map = affine_map<(d0, d1) -> (0, 0)>
#map1 = affine_map<(d0, d1) -> (0)>
module attributes {stable_mosaic.version = 14 : i64} {
  func.func @k(%arg0: i32, %arg1: i32, %arg2: memref<2048x384xi32, #tpu.memory_space<hbm>>, %arg3: memref<4096xi32, #tpu.memory_space<hbm>>, %arg4: memref<5280x384xi32, #tpu.memory_space<hbm>>, %arg5: memref<64xi32, #tpu.memory_space<vmem>>, %arg6: memref<64xi32, #tpu.memory_space<vmem>>, %arg7: memref<64x384xi32, #tpu.memory_space<vmem>>, %arg8: memref<64x384xi32, #tpu.memory_space<vmem>>, %arg9: memref<!tpu.dma_semaphore, #tpu.memory_space<semaphore_mem>>, %arg10: memref<!tpu.dma_semaphore, #tpu.memory_space<semaphore_mem>>) attributes {dimension_semantics = [#tpu.dimension_semantics<core_parallel>, #tpu.dimension_semantics<subcore_parallel>], iteration_bounds = array<i64: 2, 16>, scalar_prefetch = 0 : i64, scratch_operands = 6 : i64, tpu.core_type = #tpu.core_type<sc_vector_subcore>, window_params = [{transform_indices = #map}, {transform_indices = #map1}, {transform_indices = #map}]} {
    %mul3A = arith.constant 2 : i32
    %mul3A_0 = arith.muli %arg1, %mul3A : i32
    %add3A = arith.addi %mul3A_0, %arg0 : i32
    %mul3A_1 = arith.constant 128 : i32
    %mul3A_2 = arith.muli %add3A, %mul3A_1 : i32
    %rem3A = arith.constant 2048 : i32
    %rem3A_3 = arith.remsi %mul3A_2, %rem3A : i32
    %dma_start3A = arith.constant 0 : i32
    %dma_start3A_4 = tpu.memref_slice %arg2[%rem3A_3, %dma_start3A] : memref<2048x384xi32, #tpu.memory_space<hbm>> -> memref<64x384xi32, #tpu.memory_space<hbm>>
    %dma_start3A_5 = arith.constant 0 : i32
    %dma_start3A_6 = tpu.memref_slice %arg2[%rem3A_3, %dma_start3A_5] : memref<2048x384xi32, #tpu.memory_space<hbm>> -> memref<64x384xi32, #tpu.memory_space<hbm>>
    tpu.enqueue_dma source(%dma_start3A_6 : memref<64x384xi32, #tpu.memory_space<hbm>>) target(%arg7 : memref<64x384xi32, #tpu.memory_space<vmem>>) target_semaphore(%arg9 : memref<!tpu.dma_semaphore, #tpu.memory_space<semaphore_mem>>)
    %add3A_7 = arith.constant 64 : i32
    %add3A_8 = arith.addi %rem3A_3, %add3A_7 : i32
    %dma_start3A_9 = arith.constant 0 : i32
    %dma_start3A_10 = tpu.memref_slice %arg2[%add3A_8, %dma_start3A_9] : memref<2048x384xi32, #tpu.memory_space<hbm>> -> memref<64x384xi32, #tpu.memory_space<hbm>>
    %dma_start3A_11 = arith.constant 0 : i32
    %dma_start3A_12 = tpu.memref_slice %arg2[%add3A_8, %dma_start3A_11] : memref<2048x384xi32, #tpu.memory_space<hbm>> -> memref<64x384xi32, #tpu.memory_space<hbm>>
    tpu.enqueue_dma source(%dma_start3A_12 : memref<64x384xi32, #tpu.memory_space<hbm>>) target(%arg8 : memref<64x384xi32, #tpu.memory_space<vmem>>) target_semaphore(%arg10 : memref<!tpu.dma_semaphore, #tpu.memory_space<semaphore_mem>>)
    "tpu.region"() ({
      %run_scoped3A = tpu.sem_alloc : memref<!tpu.dma_semaphore, #tpu.memory_space<semaphore_mem>>
      %dma_start3A_34 = tpu.memref_slice %arg3[%mul3A_2] : memref<4096xi32, #tpu.memory_space<hbm>> -> memref<64xi32, #tpu.memory_space<hbm>>
      %dma_start3A_35 = tpu.memref_slice %arg3[%mul3A_2] : memref<4096xi32, #tpu.memory_space<hbm>> -> memref<64xi32, #tpu.memory_space<hbm>>
      tpu.enqueue_dma source(%dma_start3A_35 : memref<64xi32, #tpu.memory_space<hbm>>) target(%arg5 : memref<64xi32, #tpu.memory_space<vmem>>) target_semaphore(%run_scoped3A : memref<!tpu.dma_semaphore, #tpu.memory_space<semaphore_mem>>)
      %dma_wait3A_36 = tpu.memref_slice %arg3[%mul3A_2] : memref<4096xi32, #tpu.memory_space<hbm>> -> memref<64xi32, #tpu.memory_space<hbm>>
      %dma_wait3A_37 = tpu.memref_slice %arg3[%mul3A_2] : memref<4096xi32, #tpu.memory_space<hbm>> -> memref<64xi32, #tpu.memory_space<hbm>>
      tpu.wait_dma2 semaphore(%run_scoped3A : memref<!tpu.dma_semaphore, #tpu.memory_space<semaphore_mem>>) src(%dma_wait3A_37 : memref<64xi32, #tpu.memory_space<hbm>>) dst(%arg5 : memref<64xi32, #tpu.memory_space<vmem>>)
      tpu.yield
    }) : () -> ()
    %add3A_13 = arith.constant 64 : i32
    %add3A_14 = arith.addi %mul3A_2, %add3A_13 : i32
    "tpu.region"() ({
      %run_scoped3A = tpu.sem_alloc : memref<!tpu.dma_semaphore, #tpu.memory_space<semaphore_mem>>
      %dma_start3A_34 = tpu.memref_slice %arg3[%add3A_14] : memref<4096xi32, #tpu.memory_space<hbm>> -> memref<64xi32, #tpu.memory_space<hbm>>
      %dma_start3A_35 = tpu.memref_slice %arg3[%add3A_14] : memref<4096xi32, #tpu.memory_space<hbm>> -> memref<64xi32, #tpu.memory_space<hbm>>
      tpu.enqueue_dma source(%dma_start3A_35 : memref<64xi32, #tpu.memory_space<hbm>>) target(%arg6 : memref<64xi32, #tpu.memory_space<vmem>>) target_semaphore(%run_scoped3A : memref<!tpu.dma_semaphore, #tpu.memory_space<semaphore_mem>>)
      %dma_wait3A_36 = tpu.memref_slice %arg3[%add3A_14] : memref<4096xi32, #tpu.memory_space<hbm>> -> memref<64xi32, #tpu.memory_space<hbm>>
      %dma_wait3A_37 = tpu.memref_slice %arg3[%add3A_14] : memref<4096xi32, #tpu.memory_space<hbm>> -> memref<64xi32, #tpu.memory_space<hbm>>
      tpu.wait_dma2 semaphore(%run_scoped3A : memref<!tpu.dma_semaphore, #tpu.memory_space<semaphore_mem>>) src(%dma_wait3A_37 : memref<64xi32, #tpu.memory_space<hbm>>) dst(%arg6 : memref<64xi32, #tpu.memory_space<vmem>>)
      tpu.yield
    }) : () -> ()
    %dma_wait3A = arith.constant 0 : i32
    %dma_wait3A_15 = tpu.memref_slice %arg2[%rem3A_3, %dma_wait3A] : memref<2048x384xi32, #tpu.memory_space<hbm>> -> memref<64x384xi32, #tpu.memory_space<hbm>>
    %dma_wait3A_16 = arith.constant 0 : i32
    %dma_wait3A_17 = tpu.memref_slice %arg2[%rem3A_3, %dma_wait3A_16] : memref<2048x384xi32, #tpu.memory_space<hbm>> -> memref<64x384xi32, #tpu.memory_space<hbm>>
    tpu.wait_dma2 semaphore(%arg9 : memref<!tpu.dma_semaphore, #tpu.memory_space<semaphore_mem>>) src(%dma_wait3A_17 : memref<64x384xi32, #tpu.memory_space<hbm>>) dst(%arg7 : memref<64x384xi32, #tpu.memory_space<vmem>>)
    %dma_start3A_18 = arith.constant 0 : i32
    %dma_start3A_19 = arith.constant 0 : i32
    %dma_start3A_20 = tpu.memref_slice %arg4[%dma_start3A_18, %dma_start3A_19] : memref<5280x384xi32, #tpu.memory_space<hbm>> -> memref<5280x384xi32, #tpu.memory_space<hbm>>
    tpu.enqueue_indirect_dma source(%arg7 : memref<64x384xi32, #tpu.memory_space<vmem>>) target(%dma_start3A_20 : memref<5280x384xi32, #tpu.memory_space<hbm>>) offsets(%arg5 : memref<64xi32, #tpu.memory_space<vmem>>) semaphore(%arg9 : memref<!tpu.dma_semaphore, #tpu.memory_space<semaphore_mem>>)
    %dma_wait3A_21 = arith.constant 0 : i32
    %dma_wait3A_22 = tpu.memref_slice %arg2[%add3A_8, %dma_wait3A_21] : memref<2048x384xi32, #tpu.memory_space<hbm>> -> memref<64x384xi32, #tpu.memory_space<hbm>>
    %dma_wait3A_23 = arith.constant 0 : i32
    %dma_wait3A_24 = tpu.memref_slice %arg2[%add3A_8, %dma_wait3A_23] : memref<2048x384xi32, #tpu.memory_space<hbm>> -> memref<64x384xi32, #tpu.memory_space<hbm>>
    tpu.wait_dma2 semaphore(%arg10 : memref<!tpu.dma_semaphore, #tpu.memory_space<semaphore_mem>>) src(%dma_wait3A_24 : memref<64x384xi32, #tpu.memory_space<hbm>>) dst(%arg8 : memref<64x384xi32, #tpu.memory_space<vmem>>)
    %dma_start3A_25 = arith.constant 0 : i32
    %dma_start3A_26 = arith.constant 0 : i32
    %dma_start3A_27 = tpu.memref_slice %arg4[%dma_start3A_25, %dma_start3A_26] : memref<5280x384xi32, #tpu.memory_space<hbm>> -> memref<5280x384xi32, #tpu.memory_space<hbm>>
    tpu.enqueue_indirect_dma source(%arg8 : memref<64x384xi32, #tpu.memory_space<vmem>>) target(%dma_start3A_27 : memref<5280x384xi32, #tpu.memory_space<hbm>>) offsets(%arg6 : memref<64xi32, #tpu.memory_space<vmem>>) semaphore(%arg10 : memref<!tpu.dma_semaphore, #tpu.memory_space<semaphore_mem>>)
    %dma_wait3A_28 = arith.constant 0 : i32
    %dma_wait3A_29 = arith.constant 0 : i32
    %dma_wait3A_30 = tpu.memref_slice %arg4[%dma_wait3A_28, %dma_wait3A_29] : memref<5280x384xi32, #tpu.memory_space<hbm>> -> memref<5280x384xi32, #tpu.memory_space<hbm>>
    tpu.wait_indirect_dma semaphore(%arg9 : memref<!tpu.dma_semaphore, #tpu.memory_space<semaphore_mem>>) src(%arg7 : memref<64x384xi32, #tpu.memory_space<vmem>>) dst(%dma_wait3A_30 : memref<5280x384xi32, #tpu.memory_space<hbm>>)
    %dma_wait3A_31 = arith.constant 0 : i32
    %dma_wait3A_32 = arith.constant 0 : i32
    %dma_wait3A_33 = tpu.memref_slice %arg4[%dma_wait3A_31, %dma_wait3A_32] : memref<5280x384xi32, #tpu.memory_space<hbm>> -> memref<5280x384xi32, #tpu.memory_space<hbm>>
    tpu.wait_indirect_dma semaphore(%arg10 : memref<!tpu.dma_semaphore, #tpu.memory_space<semaphore_mem>>) src(%arg8 : memref<64x384xi32, #tpu.memory_space<vmem>>) dst(%dma_wait3A_33 : memref<5280x384xi32, #tpu.memory_space<hbm>>)
    return
  }
}

#map = affine_map<(d0, d1) -> (0, 0)>
#map1 = affine_map<(d0, d1) -> (0)>
module attributes {stable_mosaic.version = 14 : i64} {
  func.func @k(%arg0: i32, %arg1: i32, %arg2: memref<5120x384xi32, #tpu.memory_space<hbm>>, %arg3: memref<4096xi32, #tpu.memory_space<hbm>>, %arg4: memref<4096x384xi32, #tpu.memory_space<hbm>>, %arg5: memref<64xi32, #tpu.memory_space<vmem>>, %arg6: memref<64xi32, #tpu.memory_space<vmem>>, %arg7: memref<64x384xi32, #tpu.memory_space<vmem>>, %arg8: memref<64x384xi32, #tpu.memory_space<vmem>>, %arg9: memref<!tpu.dma_semaphore, #tpu.memory_space<semaphore_mem>>, %arg10: memref<!tpu.dma_semaphore, #tpu.memory_space<semaphore_mem>>) attributes {dimension_semantics = [#tpu.dimension_semantics<core_parallel>, #tpu.dimension_semantics<subcore_parallel>], iteration_bounds = array<i64: 2, 16>, scalar_prefetch = 0 : i64, scratch_operands = 6 : i64, tpu.core_type = #tpu.core_type<sc_vector_subcore>, window_params = [{transform_indices = #map}, {transform_indices = #map1}, {transform_indices = #map}]} {
    %mul3A = arith.constant 2 : i32
    %mul3A_0 = arith.muli %arg1, %mul3A : i32
    %add3A = arith.addi %mul3A_0, %arg0 : i32
    %mul3A_1 = arith.constant 128 : i32
    %mul3A_2 = arith.muli %add3A, %mul3A_1 : i32
    "tpu.region"() ({
      %run_scoped3A = tpu.sem_alloc : memref<!tpu.dma_semaphore, #tpu.memory_space<semaphore_mem>>
      %dma_start3A_33 = tpu.memref_slice %arg3[%mul3A_2] : memref<4096xi32, #tpu.memory_space<hbm>> -> memref<64xi32, #tpu.memory_space<hbm>>
      %dma_start3A_34 = tpu.memref_slice %arg3[%mul3A_2] : memref<4096xi32, #tpu.memory_space<hbm>> -> memref<64xi32, #tpu.memory_space<hbm>>
      tpu.enqueue_dma source(%dma_start3A_34 : memref<64xi32, #tpu.memory_space<hbm>>) target(%arg5 : memref<64xi32, #tpu.memory_space<vmem>>) target_semaphore(%run_scoped3A : memref<!tpu.dma_semaphore, #tpu.memory_space<semaphore_mem>>)
      %dma_wait3A_35 = tpu.memref_slice %arg3[%mul3A_2] : memref<4096xi32, #tpu.memory_space<hbm>> -> memref<64xi32, #tpu.memory_space<hbm>>
      %dma_wait3A_36 = tpu.memref_slice %arg3[%mul3A_2] : memref<4096xi32, #tpu.memory_space<hbm>> -> memref<64xi32, #tpu.memory_space<hbm>>
      tpu.wait_dma2 semaphore(%run_scoped3A : memref<!tpu.dma_semaphore, #tpu.memory_space<semaphore_mem>>) src(%dma_wait3A_36 : memref<64xi32, #tpu.memory_space<hbm>>) dst(%arg5 : memref<64xi32, #tpu.memory_space<vmem>>)
      tpu.yield
    }) : () -> ()
    %add3A_3 = arith.constant 64 : i32
    %add3A_4 = arith.addi %mul3A_2, %add3A_3 : i32
    "tpu.region"() ({
      %run_scoped3A = tpu.sem_alloc : memref<!tpu.dma_semaphore, #tpu.memory_space<semaphore_mem>>
      %dma_start3A_33 = tpu.memref_slice %arg3[%add3A_4] : memref<4096xi32, #tpu.memory_space<hbm>> -> memref<64xi32, #tpu.memory_space<hbm>>
      %dma_start3A_34 = tpu.memref_slice %arg3[%add3A_4] : memref<4096xi32, #tpu.memory_space<hbm>> -> memref<64xi32, #tpu.memory_space<hbm>>
      tpu.enqueue_dma source(%dma_start3A_34 : memref<64xi32, #tpu.memory_space<hbm>>) target(%arg6 : memref<64xi32, #tpu.memory_space<vmem>>) target_semaphore(%run_scoped3A : memref<!tpu.dma_semaphore, #tpu.memory_space<semaphore_mem>>)
      %dma_wait3A_35 = tpu.memref_slice %arg3[%add3A_4] : memref<4096xi32, #tpu.memory_space<hbm>> -> memref<64xi32, #tpu.memory_space<hbm>>
      %dma_wait3A_36 = tpu.memref_slice %arg3[%add3A_4] : memref<4096xi32, #tpu.memory_space<hbm>> -> memref<64xi32, #tpu.memory_space<hbm>>
      tpu.wait_dma2 semaphore(%run_scoped3A : memref<!tpu.dma_semaphore, #tpu.memory_space<semaphore_mem>>) src(%dma_wait3A_36 : memref<64xi32, #tpu.memory_space<hbm>>) dst(%arg6 : memref<64xi32, #tpu.memory_space<vmem>>)
      tpu.yield
    }) : () -> ()
    %dma_start3A = arith.constant 0 : i32
    %dma_start3A_5 = arith.constant 0 : i32
    %dma_start3A_6 = tpu.memref_slice %arg2[%dma_start3A, %dma_start3A_5] : memref<5120x384xi32, #tpu.memory_space<hbm>> -> memref<5120x384xi32, #tpu.memory_space<hbm>>
    tpu.enqueue_indirect_dma source(%dma_start3A_6 : memref<5120x384xi32, #tpu.memory_space<hbm>>) target(%arg7 : memref<64x384xi32, #tpu.memory_space<vmem>>) offsets(%arg5 : memref<64xi32, #tpu.memory_space<vmem>>) semaphore(%arg9 : memref<!tpu.dma_semaphore, #tpu.memory_space<semaphore_mem>>)
    %dma_start3A_7 = arith.constant 0 : i32
    %dma_start3A_8 = arith.constant 0 : i32
    %dma_start3A_9 = tpu.memref_slice %arg2[%dma_start3A_7, %dma_start3A_8] : memref<5120x384xi32, #tpu.memory_space<hbm>> -> memref<5120x384xi32, #tpu.memory_space<hbm>>
    tpu.enqueue_indirect_dma source(%dma_start3A_9 : memref<5120x384xi32, #tpu.memory_space<hbm>>) target(%arg8 : memref<64x384xi32, #tpu.memory_space<vmem>>) offsets(%arg6 : memref<64xi32, #tpu.memory_space<vmem>>) semaphore(%arg10 : memref<!tpu.dma_semaphore, #tpu.memory_space<semaphore_mem>>)
    %dma_wait3A = arith.constant 0 : i32
    %dma_wait3A_10 = arith.constant 0 : i32
    %dma_wait3A_11 = tpu.memref_slice %arg2[%dma_wait3A, %dma_wait3A_10] : memref<5120x384xi32, #tpu.memory_space<hbm>> -> memref<5120x384xi32, #tpu.memory_space<hbm>>
    tpu.wait_indirect_dma semaphore(%arg9 : memref<!tpu.dma_semaphore, #tpu.memory_space<semaphore_mem>>) src(%dma_wait3A_11 : memref<5120x384xi32, #tpu.memory_space<hbm>>) dst(%arg7 : memref<64x384xi32, #tpu.memory_space<vmem>>)
    %dma_start3A_12 = arith.constant 0 : i32
    %dma_start3A_13 = tpu.memref_slice %arg4[%mul3A_2, %dma_start3A_12] : memref<4096x384xi32, #tpu.memory_space<hbm>> -> memref<64x384xi32, #tpu.memory_space<hbm>>
    %dma_start3A_14 = arith.constant 0 : i32
    %dma_start3A_15 = tpu.memref_slice %arg4[%mul3A_2, %dma_start3A_14] : memref<4096x384xi32, #tpu.memory_space<hbm>> -> memref<64x384xi32, #tpu.memory_space<hbm>>
    tpu.enqueue_dma source(%arg7 : memref<64x384xi32, #tpu.memory_space<vmem>>) target(%dma_start3A_15 : memref<64x384xi32, #tpu.memory_space<hbm>>) target_semaphore(%arg9 : memref<!tpu.dma_semaphore, #tpu.memory_space<semaphore_mem>>)
    %dma_wait3A_16 = arith.constant 0 : i32
    %dma_wait3A_17 = arith.constant 0 : i32
    %dma_wait3A_18 = tpu.memref_slice %arg2[%dma_wait3A_16, %dma_wait3A_17] : memref<5120x384xi32, #tpu.memory_space<hbm>> -> memref<5120x384xi32, #tpu.memory_space<hbm>>
    tpu.wait_indirect_dma semaphore(%arg10 : memref<!tpu.dma_semaphore, #tpu.memory_space<semaphore_mem>>) src(%dma_wait3A_18 : memref<5120x384xi32, #tpu.memory_space<hbm>>) dst(%arg8 : memref<64x384xi32, #tpu.memory_space<vmem>>)
    %add3A_19 = arith.constant 64 : i32
    %add3A_20 = arith.addi %mul3A_2, %add3A_19 : i32
    %dma_start3A_21 = arith.constant 0 : i32
    %dma_start3A_22 = tpu.memref_slice %arg4[%add3A_20, %dma_start3A_21] : memref<4096x384xi32, #tpu.memory_space<hbm>> -> memref<64x384xi32, #tpu.memory_space<hbm>>
    %dma_start3A_23 = arith.constant 0 : i32
    %dma_start3A_24 = tpu.memref_slice %arg4[%add3A_20, %dma_start3A_23] : memref<4096x384xi32, #tpu.memory_space<hbm>> -> memref<64x384xi32, #tpu.memory_space<hbm>>
    tpu.enqueue_dma source(%arg8 : memref<64x384xi32, #tpu.memory_space<vmem>>) target(%dma_start3A_24 : memref<64x384xi32, #tpu.memory_space<hbm>>) target_semaphore(%arg10 : memref<!tpu.dma_semaphore, #tpu.memory_space<semaphore_mem>>)
    %dma_wait3A_25 = arith.constant 0 : i32
    %dma_wait3A_26 = tpu.memref_slice %arg4[%mul3A_2, %dma_wait3A_25] : memref<4096x384xi32, #tpu.memory_space<hbm>> -> memref<64x384xi32, #tpu.memory_space<hbm>>
    %dma_wait3A_27 = arith.constant 0 : i32
    %dma_wait3A_28 = tpu.memref_slice %arg4[%mul3A_2, %dma_wait3A_27] : memref<4096x384xi32, #tpu.memory_space<hbm>> -> memref<64x384xi32, #tpu.memory_space<hbm>>
    tpu.wait_dma2 semaphore(%arg9 : memref<!tpu.dma_semaphore, #tpu.memory_space<semaphore_mem>>) src(%arg7 : memref<64x384xi32, #tpu.memory_space<vmem>>) dst(%dma_wait3A_28 : memref<64x384xi32, #tpu.memory_space<hbm>>)
    %dma_wait3A_29 = arith.constant 0 : i32
    %dma_wait3A_30 = tpu.memref_slice %arg4[%add3A_20, %dma_wait3A_29] : memref<4096x384xi32, #tpu.memory_space<hbm>> -> memref<64x384xi32, #tpu.memory_space<hbm>>
    %dma_wait3A_31 = arith.constant 0 : i32
    %dma_wait3A_32 = tpu.memref_slice %arg4[%add3A_20, %dma_wait3A_31] : memref<4096x384xi32, #tpu.memory_space<hbm>> -> memref<64x384xi32, #tpu.memory_space<hbm>>
    tpu.wait_dma2 semaphore(%arg10 : memref<!tpu.dma_semaphore, #tpu.memory_space<semaphore_mem>>) src(%arg8 : memref<64x384xi32, #tpu.memory_space<vmem>>) dst(%dma_wait3A_32 : memref<64x384xi32, #tpu.memory_space<hbm>>)
    return
  }
}

module attributes {stable_mosaic.version = 14 : i64} {
  func.func @_gate_body(%arg0: i32, %arg1: i32, %arg2: memref<1024x768xf32, #tpu.memory_space<vmem>>, %arg3: memref<768x64xf32, #tpu.memory_space<vmem>>, %arg4: memref<1x1024x1xi32, #tpu.memory_space<vmem>>, %arg5: memref<1x1024x1xi32, #tpu.memory_space<vmem>>, %arg6: memref<1x1024x1xf32, #tpu.memory_space<vmem>>, %arg7: memref<1024x384xi32, #tpu.memory_space<vmem>>, %arg8: memref<1x64xi32, #tpu.memory_space<vmem>>, %arg9: memref<1x64xf32, #tpu.memory_space<vmem>>, %arg10: memref<4096x1xi32, #tpu.memory_space<vmem>>, %arg11: memref<4096x1xf32, #tpu.memory_space<vmem>>, %arg12: memref<1024x1024xf32, #tpu.memory_space<vmem>>) attributes {dimension_semantics = [#tpu.dimension_semantics<arbitrary>, #tpu.dimension_semantics<arbitrary>], iteration_bounds = array<i64: 2, 2>, scalar_prefetch = 0 : i64, scratch_operands = 4 : i64, tpu.core_type = #tpu.core_type<tc>, window_params = [{transform_indices = @transform_0, window_bounds = array<i64: 1024, 768>}, {pipeline_mode = #tpu.pipeline_mode<synchronous>, transform_indices = @transform_1, window_bounds = array<i64: 768, 64>}, {transform_indices = @transform_2, window_bounds = array<i64: 1, 1024, 1>}, {transform_indices = @transform_3, window_bounds = array<i64: 1, 1024, 1>}, {transform_indices = @transform_4, window_bounds = array<i64: 1, 1024, 1>}, {transform_indices = @transform_5, window_bounds = array<i64: 1024, 384>}, {pipeline_mode = #tpu.pipeline_mode<synchronous>, transform_indices = @transform_6, window_bounds = array<i64: 1, 64>}]} {
    %eq3A = arith.constant 0 : i32
    %eq3A_0 = arith.cmpi eq, %arg0, %eq3A : i32
    %eq3A_1 = arith.constant 0 : i32
    %eq3A_2 = arith.cmpi eq, %arg1, %eq3A_1 : i32
    %and3A = arith.andi %eq3A_0, %eq3A_2 : i1
    %convert_element_type3A = arith.extui %and3A : i1 to i32
    %cond3A = arith.constant 0 : i32
    %cond3A_3 = arith.cmpi ne, %convert_element_type3A, %cond3A : i32
    scf.if %cond3A_3 {
      %broadcast_in_dim3A_102 = arith.constant 0.000000e+00 : f32
      %broadcast_in_dim3A_103 = vector.broadcast %broadcast_in_dim3A_102 : f32 to vector<1x64xf32>
      %swap3A_104 = arith.constant 0 : index
      %swap3A_105 = arith.constant 0 : index
      %swap3A_106 = vector.load %arg9[%swap3A_104, %swap3A_105] : memref<1x64xf32, #tpu.memory_space<vmem>>, vector<1x64xf32>
      tpu.vector_store %arg9[%swap3A_104, %swap3A_105], %broadcast_in_dim3A_103 {strides = array<i32>} : memref<1x64xf32, #tpu.memory_space<vmem>>, vector<1x64xf32>,
      %iota3A_107 = tpu.iota {dimensions = array<i32: 0>} : vector<1024x1024xi32>
      %iota3A_108 = tpu.iota {dimensions = array<i32: 1>} : vector<1024x1024xi32>
      %le3A = arith.cmpi sle, %iota3A_108, %iota3A_107 : vector<1024x1024xi32>
      %convert_element_type3A_109 = arith.extui %le3A : vector<1024x1024xi1> to vector<1024x1024xi32>
      %convert_element_type3A_110 = arith.sitofp %convert_element_type3A_109 : vector<1024x1024xi32> to vector<1024x1024xf32>
      %swap3A_111 = arith.constant 0 : index
      %swap3A_112 = arith.constant 0 : index
      %swap3A_113 = vector.load %arg12[%swap3A_111, %swap3A_112] : memref<1024x1024xf32, #tpu.memory_space<vmem>>, vector<1024x1024xf32>
      tpu.vector_store %arg12[%swap3A_111, %swap3A_112], %convert_element_type3A_110 {strides = array<i32>} : memref<1024x1024xf32, #tpu.memory_space<vmem>>, vector<1024x1024xf32>,
    } else {
    }
    %get3A = arith.constant 0 : index
    %get3A_4 = arith.constant 0 : index
    %get3A_5 = vector.load %arg2[%get3A, %get3A_4] : memref<1024x768xf32, #tpu.memory_space<vmem>>, vector<1024x768xf32>
    %slice3A = vector.extract_strided_slice %get3A_5 {offsets = [0, 0], sizes = [1024, 384], strides = [1, 1]} : vector<1024x768xf32> to vector<1024x384xf32>
    %slice3A_6 = vector.extract_strided_slice %get3A_5 {offsets = [0, 384], sizes = [1024, 384], strides = [1, 1]} : vector<1024x768xf32> to vector<1024x384xf32>
    %bitcast_convert_type3A = tpu.bitcast %slice3A : vector<1024x384xf32> -> vector<1024x384xi32>
    %bitcast_convert_type3A_7 = tpu.bitcast %slice3A_6 : vector<1024x384xf32> -> vector<1024x384xi32>
    %add3A = arith.constant 32768 : i32
    %add3A_8 = vector.broadcast %add3A : i32 to vector<1024x384xi32>
    %add3A_9 = arith.addi %bitcast_convert_type3A, %add3A_8 : vector<1024x384xi32>
    %shift_right_logical3A = arith.constant 16 : i32
    %shift_right_logical3A_10 = vector.broadcast %shift_right_logical3A : i32 to vector<1024x384xi32>
    %shift_right_logical3A_11 = arith.shrui %add3A_9, %shift_right_logical3A_10 : vector<1024x384xi32>
    %add3A_12 = arith.constant 32768 : i32
    %add3A_13 = vector.broadcast %add3A_12 : i32 to vector<1024x384xi32>
    %add3A_14 = arith.addi %bitcast_convert_type3A_7, %add3A_13 : vector<1024x384xi32>
    %and3A_15 = arith.constant -65536 : i32
    %and3A_16 = vector.broadcast %and3A_15 : i32 to vector<1024x384xi32>
    %and3A_17 = arith.andi %add3A_14, %and3A_16 : vector<1024x384xi32>
    %or3A = arith.ori %shift_right_logical3A_11, %and3A_17 : vector<1024x384xi32>
    %bitcast_convert_type3A_18 = tpu.bitcast %or3A : vector<1024x384xi32> -> vector<1024x384xi32>
    %swap3A = arith.constant 0 : index
    %swap3A_19 = arith.constant 0 : index
    %swap3A_20 = vector.load %arg7[%swap3A, %swap3A_19] : memref<1024x384xi32, #tpu.memory_space<vmem>>, vector<1024x384xi32>
    tpu.vector_store %arg7[%swap3A, %swap3A_19], %bitcast_convert_type3A_18 {strides = array<i32>} : memref<1024x384xi32, #tpu.memory_space<vmem>>, vector<1024x384xi32>,
    %eq3A_21 = arith.constant 0 : i32
    %eq3A_22 = arith.cmpi eq, %arg0, %eq3A_21 : i32
    %convert_element_type3A_23 = arith.extui %eq3A_22 : i1 to i32
    %cond3A_24 = arith.constant 0 : i32
    %cond3A_25 = arith.cmpi ne, %convert_element_type3A_23, %cond3A_24 : i32
    scf.if %cond3A_25 {
      %get3A_102 = arith.constant 0 : index
      %get3A_103 = arith.constant 0 : index
      %get3A_104 = vector.load %arg3[%get3A_102, %get3A_103] : memref<768x64xf32, #tpu.memory_space<vmem>>, vector<768x64xf32>
      %dot_general3A_105 = arith.constant dense<0.000000e+00> : vector<1024x64xf32>
      %dot_general3A_106 = tpu.matmul %get3A_5, %get3A_104, %dot_general3A_105 {dimension_numbers = #tpu.dot_dimension_numbers<[1], [0], [0], [1], [0, 0, 1, 1], [], []>, transpose_lhs_hint = false} : vector<1024x768xf32>, vector<768x64xf32>, vector<1024x64xf32> -> vector<1024x64xf32>
      %reduce_max3A = arith.constant dense<0xFF800000> : vector<1024xf32>
      %reduce_max3A_107 = vector.multi_reduction <maximumf>, %dot_general3A_106, %reduce_max3A [1] : vector<1024x64xf32> to vector<1024xf32>
      %broadcast_in_dim3A_108 = vector.shape_cast %reduce_max3A_107 : vector<1024xf32> to vector<1024x1xf32>
      %sub3A_109 = vector.broadcast %broadcast_in_dim3A_108 : vector<1024x1xf32> to vector<1024x64xf32>
      %sub3A_110 = arith.subf %dot_general3A_106, %sub3A_109 : vector<1024x64xf32>
      %exp3A = math.exp %sub3A_110 : vector<1024x64xf32>
      %reduce_sum3A_111 = arith.constant dense<0.000000e+00> : vector<1024xf32>
      %reduce_sum3A_112 = vector.multi_reduction <add>, %exp3A, %reduce_sum3A_111 [1] : vector<1024x64xf32> to vector<1024xf32>
      %broadcast_in_dim3A_113 = vector.shape_cast %reduce_sum3A_112 : vector<1024xf32> to vector<1024x1xf32>
      %div3A = vector.broadcast %broadcast_in_dim3A_113 : vector<1024x1xf32> to vector<1024x64xf32>
      %div3A_114 = arith.divf %exp3A, %div3A : vector<1024x64xf32>
      %iota3A_115 = tpu.iota {dimensions = array<i32: 1>} : vector<1024x64xi32>
      %reduce_max3A_116 = arith.constant dense<0xFF800000> : vector<1024xf32>
      %reduce_max3A_117 = vector.multi_reduction <maximumf>, %div3A_114, %reduce_max3A_116 [1] : vector<1024x64xf32> to vector<1024xf32>
      %broadcast_in_dim3A_118 = vector.shape_cast %reduce_max3A_117 : vector<1024xf32> to vector<1024x1xf32>
      %eq3A_119 = vector.broadcast %broadcast_in_dim3A_118 : vector<1024x1xf32> to vector<1024x64xf32>
      %eq3A_120 = arith.cmpf oeq, %div3A_114, %eq3A_119 : vector<1024x64xf32>
      %jit3A_121 = arith.constant 64 : i32
      %broadcast_in_dim3A_122 = vector.broadcast %jit3A_121 : i32 to vector<1024x64xi32>
      %select_n3A_123 = arith.select %eq3A_120, %iota3A_115, %broadcast_in_dim3A_122 : vector<1024x64xi1>, vector<1024x64xi32>
      %reduce_min3A = arith.constant dense<2147483647> : vector<1024xi32>
      %reduce_min3A_124 = vector.multi_reduction <minsi>, %select_n3A_123, %reduce_min3A [1] : vector<1024x64xi32> to vector<1024xi32>
      %broadcast_in_dim3A_125 = vector.shape_cast %reduce_min3A_124 : vector<1024xi32> to vector<1024x1xi32>
      %eq3A_126 = vector.broadcast %broadcast_in_dim3A_125 : vector<1024x1xi32> to vector<1024x64xi32>
      %eq3A_127 = arith.cmpi eq, %iota3A_115, %eq3A_126 : vector<1024x64xi32>
      %jit3A_128 = arith.constant -1.000000e+00 : f32
      %broadcast_in_dim3A_129 = vector.broadcast %jit3A_128 : f32 to vector<1024x64xf32>
      %select_n3A_130 = arith.select %eq3A_127, %broadcast_in_dim3A_129, %div3A_114 : vector<1024x64xi1>, vector<1024x64xf32>
      %reduce_max3A_131 = arith.constant dense<0xFF800000> : vector<1024xf32>
      %reduce_max3A_132 = vector.multi_reduction <maximumf>, %select_n3A_130, %reduce_max3A_131 [1] : vector<1024x64xf32> to vector<1024xf32>
      %broadcast_in_dim3A_133 = vector.shape_cast %reduce_max3A_132 : vector<1024xf32> to vector<1024x1xf32>
      %eq3A_134 = vector.broadcast %broadcast_in_dim3A_133 : vector<1024x1xf32> to vector<1024x64xf32>
      %eq3A_135 = arith.cmpf oeq, %select_n3A_130, %eq3A_134 : vector<1024x64xf32>
      %jit3A_136 = arith.constant 64 : i32
      %broadcast_in_dim3A_137 = vector.broadcast %jit3A_136 : i32 to vector<1024x64xi32>
      %select_n3A_138 = arith.select %eq3A_135, %iota3A_115, %broadcast_in_dim3A_137 : vector<1024x64xi1>, vector<1024x64xi32>
      %reduce_min3A_139 = arith.constant dense<2147483647> : vector<1024xi32>
      %reduce_min3A_140 = vector.multi_reduction <minsi>, %select_n3A_138, %reduce_min3A_139 [1] : vector<1024x64xi32> to vector<1024xi32>
      %broadcast_in_dim3A_141 = vector.shape_cast %reduce_min3A_140 : vector<1024xi32> to vector<1024x1xi32>
      %add3A_142 = arith.addf %broadcast_in_dim3A_118, %broadcast_in_dim3A_133 : vector<1024x1xf32>
      %mul3A_143 = arith.constant 1024 : i32
      %mul3A_144 = arith.muli %arg1, %mul3A_143 : i32
      %swap3A_145 = arith.index_cast %mul3A_144 : i32 to index
      %swap3A_146 = arith.constant 0 : index
      %swap3A_147 = vector.load %arg10[%swap3A_145, %swap3A_146] : memref<4096x1xi32, #tpu.memory_space<vmem>>, vector<1024x1xi32>
      tpu.vector_store %arg10[%swap3A_145, %swap3A_146], %broadcast_in_dim3A_125 {strides = array<i32>} : memref<4096x1xi32, #tpu.memory_space<vmem>>, vector<1024x1xi32>,
      %div3A_148 = arith.divf %broadcast_in_dim3A_118, %add3A_142 : vector<1024x1xf32>
      %mul3A_149 = arith.constant 1024 : i32
      %mul3A_150 = arith.muli %arg1, %mul3A_149 : i32
      %swap3A_151 = arith.index_cast %mul3A_150 : i32 to index
      %swap3A_152 = arith.constant 0 : index
      %swap3A_153 = vector.load %arg11[%swap3A_151, %swap3A_152] : memref<4096x1xf32, #tpu.memory_space<vmem>>, vector<1024x1xf32>
      tpu.vector_store %arg11[%swap3A_151, %swap3A_152], %div3A_148 {strides = array<i32>} : memref<4096x1xf32, #tpu.memory_space<vmem>>, vector<1024x1xf32>,
      %mul3A_154 = arith.constant 1024 : i32
      %mul3A_155 = arith.muli %arg1, %mul3A_154 : i32
      %add3A_156 = arith.constant 2048 : i32
      %add3A_157 = arith.addi %add3A_156, %mul3A_155 : i32
      %swap3A_158 = arith.index_cast %add3A_157 : i32 to index
      %swap3A_159 = arith.constant 0 : index
      %swap3A_160 = vector.load %arg10[%swap3A_158, %swap3A_159] : memref<4096x1xi32, #tpu.memory_space<vmem>>, vector<1024x1xi32>
      tpu.vector_store %arg10[%swap3A_158, %swap3A_159], %broadcast_in_dim3A_141 {strides = array<i32>} : memref<4096x1xi32, #tpu.memory_space<vmem>>, vector<1024x1xi32>,
      %div3A_161 = arith.divf %broadcast_in_dim3A_133, %add3A_142 : vector<1024x1xf32>
      %mul3A_162 = arith.constant 1024 : i32
      %mul3A_163 = arith.muli %arg1, %mul3A_162 : i32
      %add3A_164 = arith.constant 2048 : i32
      %add3A_165 = arith.addi %add3A_164, %mul3A_163 : i32
      %swap3A_166 = arith.index_cast %add3A_165 : i32 to index
      %swap3A_167 = arith.constant 0 : index
      %swap3A_168 = vector.load %arg11[%swap3A_166, %swap3A_167] : memref<4096x1xf32, #tpu.memory_space<vmem>>, vector<1024x1xf32>
      tpu.vector_store %arg11[%swap3A_166, %swap3A_167], %div3A_161 {strides = array<i32>} : memref<4096x1xf32, #tpu.memory_space<vmem>>, vector<1024x1xf32>,
    } else {
    }
    %mul3A = arith.constant 2048 : i32
    %mul3A_26 = arith.muli %arg0, %mul3A : i32
    %mul3A_27 = arith.constant 1024 : i32
    %mul3A_28 = arith.muli %arg1, %mul3A_27 : i32
    %add3A_29 = arith.addi %mul3A_26, %mul3A_28 : i32
    %get3A_30 = arith.index_cast %add3A_29 : i32 to index
    %get3A_31 = arith.constant 0 : index
    %get3A_32 = vector.load %arg10[%get3A_30, %get3A_31] : memref<4096x1xi32, #tpu.memory_space<vmem>>, vector<1024x1xi32>
    %mul3A_33 = arith.constant 2048 : i32
    %mul3A_34 = arith.muli %arg0, %mul3A_33 : i32
    %mul3A_35 = arith.constant 1024 : i32
    %mul3A_36 = arith.muli %arg1, %mul3A_35 : i32
    %add3A_37 = arith.addi %mul3A_34, %mul3A_36 : i32
    %get3A_38 = arith.index_cast %add3A_37 : i32 to index
    %get3A_39 = arith.constant 0 : index
    %get3A_40 = vector.load %arg11[%get3A_38, %get3A_39] : memref<4096x1xf32, #tpu.memory_space<vmem>>, vector<1024x1xf32>
    %iota3A = tpu.iota {dimensions = array<i32: 1>} : vector<1024x64xi32>
    %eq3A_41 = vector.broadcast %get3A_32 : vector<1024x1xi32> to vector<1024x64xi32>
    %eq3A_42 = arith.cmpi eq, %iota3A, %eq3A_41 : vector<1024x64xi32>
    %convert_element_type3A_43 = arith.extui %eq3A_42 : vector<1024x64xi1> to vector<1024x64xi32>
    %convert_element_type3A_44 = arith.sitofp %convert_element_type3A_43 : vector<1024x64xi32> to vector<1024x64xf32>
    %get3A_45 = arith.constant 0 : index
    %get3A_46 = arith.constant 0 : index
    %get3A_47 = vector.load %arg12[%get3A_45, %get3A_46] : memref<1024x1024xf32, #tpu.memory_space<vmem>>, vector<1024x1024xf32>
    %dot_general3A = arith.constant dense<0.000000e+00> : vector<1024x64xf32>
    %dot_general3A_48 = tpu.matmul %get3A_47, %convert_element_type3A_44, %dot_general3A {dimension_numbers = #tpu.dot_dimension_numbers<[1], [0], [0], [1], [0, 0, 1, 1], [], []>, transpose_lhs_hint = false} : vector<1024x1024xf32>, vector<1024x64xf32>, vector<1024x64xf32> -> vector<1024x64xf32>
    %get3A_49 = arith.constant 0 : index
    %get3A_50 = arith.constant 0 : index
    %get3A_51 = vector.load %arg9[%get3A_49, %get3A_50] : memref<1x64xf32, #tpu.memory_space<vmem>>, vector<1x64xf32>
    %sub3A = arith.subf %dot_general3A_48, %convert_element_type3A_44 : vector<1024x64xf32>
    %add3A_52 = vector.broadcast %get3A_51 : vector<1x64xf32> to vector<1024x64xf32>
    %add3A_53 = arith.addf %sub3A, %add3A_52 : vector<1024x64xf32>
    %mul3A_54 = arith.mulf %add3A_53, %convert_element_type3A_44 : vector<1024x64xf32>
    %reduce_sum3A = arith.constant dense<0.000000e+00> : vector<1024xf32>
    %reduce_sum3A_55 = vector.multi_reduction <add>, %mul3A_54, %reduce_sum3A [1] : vector<1024x64xf32> to vector<1024xf32>
    %broadcast_in_dim3A = vector.shape_cast %reduce_sum3A_55 : vector<1024xf32> to vector<1024x1xf32>
    %lt3A = arith.constant 8.000000e+01 : f32
    %lt3A_56 = vector.broadcast %lt3A : f32 to vector<1024x1xf32>
    %lt3A_57 = arith.cmpf olt, %broadcast_in_dim3A, %lt3A_56 : vector<1024x1xf32>
    %convert_element_type3A_58 = arith.extui %lt3A_57 : vector<1024x1xi1> to vector<1024x1xi32>
    %convert_element_type3A_59 = arith.sitofp %convert_element_type3A_58 : vector<1024x1xi32> to vector<1024x1xf32>
    %mul3A_60 = vector.broadcast %convert_element_type3A_59 : vector<1024x1xf32> to vector<1024x64xf32>
    %mul3A_61 = arith.mulf %convert_element_type3A_44, %mul3A_60 : vector<1024x64xf32>
    %reduce_sum3A_62 = arith.constant dense<0.000000e+00> : vector<64xf32>
    %reduce_sum3A_63 = vector.multi_reduction <add>, %mul3A_61, %reduce_sum3A_62 [0] : vector<1024x64xf32> to vector<64xf32>
    %broadcast_in_dim3A_64 = vector.shape_cast %reduce_sum3A_63 : vector<64xf32> to vector<1x64xf32>
    %add3A_65 = arith.addf %get3A_51, %broadcast_in_dim3A_64 : vector<1x64xf32>
    %swap3A_66 = arith.constant 0 : index
    %swap3A_67 = arith.constant 0 : index
    %swap3A_68 = vector.load %arg9[%swap3A_66, %swap3A_67] : memref<1x64xf32, #tpu.memory_space<vmem>>, vector<1x64xf32>
    tpu.vector_store %arg9[%swap3A_66, %swap3A_67], %add3A_65 {strides = array<i32>} : memref<1x64xf32, #tpu.memory_space<vmem>>, vector<1x64xf32>,
    %convert_element_type3A_69 = arith.fptosi %broadcast_in_dim3A : vector<1024x1xf32> to vector<1024x1xi32>
    %mul3A_70 = arith.constant 80 : i32
    %mul3A_71 = vector.broadcast %mul3A_70 : i32 to vector<1024x1xi32>
    %mul3A_72 = arith.muli %get3A_32, %mul3A_71 : vector<1024x1xi32>
    %add3A_73 = arith.addi %mul3A_72, %convert_element_type3A_69 : vector<1024x1xi32>
    %jit3A = arith.constant 5120 : i32
    %broadcast_in_dim3A_74 = vector.broadcast %jit3A : i32 to vector<1024x1xi32>
    %select_n3A = arith.select %lt3A_57, %add3A_73, %broadcast_in_dim3A_74 : vector<1024x1xi1>, vector<1024x1xi32>
    %reshape3A = vector.shape_cast %select_n3A : vector<1024x1xi32> to vector<1x1024x1xi32>
    %swap3A_75 = arith.constant 0 : index
    %swap3A_76 = arith.constant 0 : index
    %swap3A_77 = arith.constant 0 : index
    %swap3A_78 = vector.load %arg4[%swap3A_75, %swap3A_76, %swap3A_77] : memref<1x1024x1xi32, #tpu.memory_space<vmem>>, vector<1x1024x1xi32>
    tpu.vector_store %arg4[%swap3A_75, %swap3A_76, %swap3A_77], %reshape3A {strides = array<i32>} : memref<1x1024x1xi32, #tpu.memory_space<vmem>>, vector<1x1024x1xi32>,
    %jit3A_79 = arith.constant 0 : i32
    %broadcast_in_dim3A_80 = vector.broadcast %jit3A_79 : i32 to vector<1024x1xi32>
    %select_n3A_81 = arith.select %lt3A_57, %add3A_73, %broadcast_in_dim3A_80 : vector<1024x1xi1>, vector<1024x1xi32>
    %reshape3A_82 = vector.shape_cast %select_n3A_81 : vector<1024x1xi32> to vector<1x1024x1xi32>
    %swap3A_83 = arith.constant 0 : index
    %swap3A_84 = arith.constant 0 : index
    %swap3A_85 = arith.constant 0 : index
    %swap3A_86 = vector.load %arg5[%swap3A_83, %swap3A_84, %swap3A_85] : memref<1x1024x1xi32, #tpu.memory_space<vmem>>, vector<1x1024x1xi32>
    tpu.vector_store %arg5[%swap3A_83, %swap3A_84, %swap3A_85], %reshape3A_82 {strides = array<i32>} : memref<1x1024x1xi32, #tpu.memory_space<vmem>>, vector<1x1024x1xi32>,
    %jit3A_87 = arith.constant 0.000000e+00 : f32
    %broadcast_in_dim3A_88 = vector.broadcast %jit3A_87 : f32 to vector<1024x1xf32>
    %select_n3A_89 = arith.select %lt3A_57, %get3A_40, %broadcast_in_dim3A_88 : vector<1024x1xi1>, vector<1024x1xf32>
    %reshape3A_90 = vector.shape_cast %select_n3A_89 : vector<1024x1xf32> to vector<1x1024x1xf32>
    %swap3A_91 = arith.constant 0 : index
    %swap3A_92 = arith.constant 0 : index
    %swap3A_93 = arith.constant 0 : index
    %swap3A_94 = vector.load %arg6[%swap3A_91, %swap3A_92, %swap3A_93] : memref<1x1024x1xf32, #tpu.memory_space<vmem>>, vector<1x1024x1xf32>
    tpu.vector_store %arg6[%swap3A_91, %swap3A_92, %swap3A_93], %reshape3A_90 {strides = array<i32>} : memref<1x1024x1xf32, #tpu.memory_space<vmem>>, vector<1x1024x1xf32>,
    %get3A_95 = arith.constant 0 : index
    %get3A_96 = arith.constant 0 : index
    %get3A_97 = vector.load %arg9[%get3A_95, %get3A_96] : memref<1x64xf32, #tpu.memory_space<vmem>>, vector<1x64xf32>
    %convert_element_type3A_98 = arith.fptosi %get3A_97 : vector<1x64xf32> to vector<1x64xi32>
    %swap3A_99 = arith.constant 0 : index
    %swap3A_100 = arith.constant 0 : index
    %swap3A_101 = vector.load %arg8[%swap3A_99, %swap3A_100] : memref<1x64xi32, #tpu.memory_space<vmem>>, vector<1x64xi32>
    tpu.vector_store %arg8[%swap3A_99, %swap3A_100], %convert_element_type3A_98 {strides = array<i32>} : memref<1x64xi32, #tpu.memory_space<vmem>>, vector<1x64xi32>,
    return
  }
  func.func @transform_0(%arg0: i32, %arg1: i32) -> (i32, i32) {
    %c0_i32 = arith.constant 0 : i32
    %c0_i32_0 = arith.constant 0 : i32
    return %arg1, %c0_i32 : i32, i32
  }
  func.func @transform_1(%arg0: i32, %arg1: i32) -> (i32, i32) {
    %c0_i32 = arith.constant 0 : i32
    %c0_i32_0 = arith.constant 0 : i32
    %c0_i32_1 = arith.constant 0 : i32
    return %c0_i32, %c0_i32_0 : i32, i32
  }
  func.func @transform_2(%arg0: i32, %arg1: i32) -> (i32, i32, i32) {
    %mul3A = arith.constant 2 : i32
    %mul3A_0 = arith.muli %arg0, %mul3A : i32
    %add3A = arith.addi %mul3A_0, %arg1 : i32
    %c0_i32 = arith.constant 0 : i32
    %c0_i32_1 = arith.constant 0 : i32
    %c0_i32_2 = arith.constant 0 : i32
    return %add3A, %c0_i32, %c0_i32_1 : i32, i32, i32
  }
  func.func @transform_3(%arg0: i32, %arg1: i32) -> (i32, i32, i32) {
    %mul3A = arith.constant 2 : i32
    %mul3A_0 = arith.muli %arg0, %mul3A : i32
    %add3A = arith.addi %mul3A_0, %arg1 : i32
    %c0_i32 = arith.constant 0 : i32
    %c0_i32_1 = arith.constant 0 : i32
    %c0_i32_2 = arith.constant 0 : i32
    return %add3A, %c0_i32, %c0_i32_1 : i32, i32, i32
  }
  func.func @transform_4(%arg0: i32, %arg1: i32) -> (i32, i32, i32) {
    %mul3A = arith.constant 2 : i32
    %mul3A_0 = arith.muli %arg0, %mul3A : i32
    %add3A = arith.addi %mul3A_0, %arg1 : i32
    %c0_i32 = arith.constant 0 : i32
    %c0_i32_1 = arith.constant 0 : i32
    %c0_i32_2 = arith.constant 0 : i32
    return %add3A, %c0_i32, %c0_i32_1 : i32, i32, i32
  }
  func.func @transform_5(%arg0: i32, %arg1: i32) -> (i32, i32) {
    %c0_i32 = arith.constant 0 : i32
    %c0_i32_0 = arith.constant 0 : i32
    return %arg1, %c0_i32 : i32, i32
  }
  func.func @transform_6(%arg0: i32, %arg1: i32) -> (i32, i32) {
    %c0_i32 = arith.constant 0 : i32
    %c0_i32_0 = arith.constant 0 : i32
    %c0_i32_1 = arith.constant 0 : i32
    return %c0_i32, %c0_i32_0 : i32, i32
  }
}

module attributes {stable_mosaic.version = 14 : i64} {
  func.func @_ffn_body(%arg0: i32, %arg1: memref<64xi32, #tpu.memory_space<smem>>, %arg2: memref<80x384xi32, #tpu.memory_space<vmem>>, %arg3: memref<1x768x1024xf32, #tpu.memory_space<vmem>>, %arg4: memref<1x1x1024xf32, #tpu.memory_space<vmem>>, %arg5: memref<1x1024x768xf32, #tpu.memory_space<vmem>>, %arg6: memref<1x1x768xf32, #tpu.memory_space<vmem>>, %arg7: memref<80x384xi32, #tpu.memory_space<vmem>>) attributes {dimension_semantics = [#tpu.dimension_semantics<arbitrary>], iteration_bounds = array<i64: 64>, scalar_prefetch = 1 : i64, scratch_operands = 0 : i64, tpu.core_type = #tpu.core_type<tc>, window_params = [{transform_indices = @transform_0, window_bounds = array<i64: 80, 384>}, {transform_indices = @transform_1, window_bounds = array<i64: 1, 768, 1024>}, {transform_indices = @transform_2, window_bounds = array<i64: 1, 1, 1024>}, {transform_indices = @transform_3, window_bounds = array<i64: 1, 1024, 768>}, {transform_indices = @transform_4, window_bounds = array<i64: 1, 1, 768>}, {transform_indices = @transform_5, window_bounds = array<i64: 80, 384>}]} {
    %iota3A = tpu.iota {dimensions = array<i32: 0>} : vector<80x1xi32>
    %mul3A = arith.constant 1 : i32
    %mul3A_0 = arith.muli %arg0, %mul3A : i32
    %add3A = arith.constant 0 : i32
    %add3A_1 = arith.addi %mul3A_0, %add3A : i32
    %get3A = arith.index_cast %add3A_1 : i32 to index
    %get3A_2 = memref.load %arg1[%get3A] : memref<64xi32, #tpu.memory_space<smem>>
    %get3A_3 = arith.constant 0 : index
    %get3A_4 = arith.constant 0 : index
    %get3A_5 = vector.load %arg2[%get3A_3, %get3A_4] : memref<80x384xi32, #tpu.memory_space<vmem>>, vector<80x384xi32>
    %shift_left3A = arith.constant 16 : i32
    %shift_left3A_6 = vector.broadcast %shift_left3A : i32 to vector<80x384xi32>
    %shift_left3A_7 = arith.shli %get3A_5, %shift_left3A_6 : vector<80x384xi32>
    %bitcast_convert_type3A = tpu.bitcast %shift_left3A_7 : vector<80x384xi32> -> vector<80x384xf32>
    %and3A = arith.constant -65536 : i32
    %and3A_8 = vector.broadcast %and3A : i32 to vector<80x384xi32>
    %and3A_9 = arith.andi %get3A_5, %and3A_8 : vector<80x384xi32>
    %bitcast_convert_type3A_10 = tpu.bitcast %and3A_9 : vector<80x384xi32> -> vector<80x384xf32>
    %concatenate3A = tpu.concatenate %bitcast_convert_type3A, %bitcast_convert_type3A_10 in 1 : vector<80x384xf32>, vector<80x384xf32> -> vector<80x768xf32>
    %lt3A = vector.broadcast %get3A_2 : i32 to vector<80x1xi32>
    %lt3A_11 = arith.cmpi slt, %iota3A, %lt3A : vector<80x1xi32>
    %jit3A = arith.constant 0.000000e+00 : f32
    %broadcast_in_dim3A = vector.shape_cast %lt3A_11 : vector<80x1xi1> to vector<80x1xi1>
    %broadcast_in_dim3A_12 = vector.broadcast %broadcast_in_dim3A : vector<80x1xi1> to vector<80x768xi1>
    %broadcast_in_dim3A_13 = vector.broadcast %jit3A : f32 to vector<80x768xf32>
    %select_n3A = arith.select %broadcast_in_dim3A_12, %concatenate3A, %broadcast_in_dim3A_13 : vector<80x768xi1>, vector<80x768xf32>
    %get3A_14 = arith.constant 0 : index
    %get3A_15 = arith.constant 0 : index
    %get3A_16 = arith.constant 0 : index
    %get3A_17 = vector.load %arg3[%get3A_14, %get3A_15, %get3A_16] : memref<1x768x1024xf32, #tpu.memory_space<vmem>>, vector<1x768x1024xf32>
    %get3A_18 = vector.shape_cast %get3A_17 : vector<1x768x1024xf32> to vector<768x1024xf32>
    %dot_general3A = arith.constant dense<0.000000e+00> : vector<80x1024xf32>
    %dot_general3A_19 = tpu.matmul %select_n3A, %get3A_18, %dot_general3A {dimension_numbers = #tpu.dot_dimension_numbers<[1], [0], [0], [1], [0, 0, 1, 1], [], []>, transpose_lhs_hint = false} : vector<80x768xf32>, vector<768x1024xf32>, vector<80x1024xf32> -> vector<80x1024xf32>
    %get3A_20 = arith.constant 0 : index
    %get3A_21 = arith.constant 0 : index
    %get3A_22 = arith.constant 0 : index
    %get3A_23 = vector.load %arg4[%get3A_20, %get3A_21, %get3A_22] : memref<1x1x1024xf32, #tpu.memory_space<vmem>>, vector<1x1x1024xf32>
    %get3A_24 = vector.shape_cast %get3A_23 : vector<1x1x1024xf32> to vector<1x1024xf32>
    %add3A_25 = vector.broadcast %get3A_24 : vector<1x1024xf32> to vector<80x1024xf32>
    %add3A_26 = arith.addf %dot_general3A_19, %add3A_25 : vector<80x1024xf32>
    %mul3A_27 = arith.constant 5.000000e-01 : f32
    %mul3A_28 = vector.broadcast %mul3A_27 : f32 to vector<80x1024xf32>
    %mul3A_29 = arith.mulf %mul3A_28, %add3A_26 : vector<80x1024xf32>
    %mul3A_30 = arith.constant 0.707106769 : f32
    %mul3A_31 = vector.broadcast %mul3A_30 : f32 to vector<80x1024xf32>
    %mul3A_32 = arith.mulf %add3A_26, %mul3A_31 : vector<80x1024xf32>
    %erf3A = math.erf %mul3A_32 : vector<80x1024xf32>
    %add3A_33 = arith.constant 1.000000e+00 : f32
    %add3A_34 = vector.broadcast %add3A_33 : f32 to vector<80x1024xf32>
    %add3A_35 = arith.addf %add3A_34, %erf3A : vector<80x1024xf32>
    %mul3A_36 = arith.mulf %mul3A_29, %add3A_35 : vector<80x1024xf32>
    %get3A_37 = arith.constant 0 : index
    %get3A_38 = arith.constant 0 : index
    %get3A_39 = arith.constant 0 : index
    %get3A_40 = vector.load %arg5[%get3A_37, %get3A_38, %get3A_39] : memref<1x1024x768xf32, #tpu.memory_space<vmem>>, vector<1x1024x768xf32>
    %get3A_41 = vector.shape_cast %get3A_40 : vector<1x1024x768xf32> to vector<1024x768xf32>
    %dot_general3A_42 = arith.constant dense<0.000000e+00> : vector<80x768xf32>
    %dot_general3A_43 = tpu.matmul %mul3A_36, %get3A_41, %dot_general3A_42 {dimension_numbers = #tpu.dot_dimension_numbers<[1], [0], [0], [1], [0, 0, 1, 1], [], []>, transpose_lhs_hint = false} : vector<80x1024xf32>, vector<1024x768xf32>, vector<80x768xf32> -> vector<80x768xf32>
    %get3A_44 = arith.constant 0 : index
    %get3A_45 = arith.constant 0 : index
    %get3A_46 = arith.constant 0 : index
    %get3A_47 = vector.load %arg6[%get3A_44, %get3A_45, %get3A_46] : memref<1x1x768xf32, #tpu.memory_space<vmem>>, vector<1x1x768xf32>
    %get3A_48 = vector.shape_cast %get3A_47 : vector<1x1x768xf32> to vector<1x768xf32>
    %add3A_49 = vector.broadcast %get3A_48 : vector<1x768xf32> to vector<80x768xf32>
    %add3A_50 = arith.addf %dot_general3A_43, %add3A_49 : vector<80x768xf32>
    %slice3A = vector.extract_strided_slice %add3A_50 {offsets = [0, 0], sizes = [80, 384], strides = [1, 1]} : vector<80x768xf32> to vector<80x384xf32>
    %slice3A_51 = vector.extract_strided_slice %add3A_50 {offsets = [0, 384], sizes = [80, 384], strides = [1, 1]} : vector<80x768xf32> to vector<80x384xf32>
    %bitcast_convert_type3A_52 = tpu.bitcast %slice3A : vector<80x384xf32> -> vector<80x384xi32>
    %bitcast_convert_type3A_53 = tpu.bitcast %slice3A_51 : vector<80x384xf32> -> vector<80x384xi32>
    %add3A_54 = arith.constant 32768 : i32
    %add3A_55 = vector.broadcast %add3A_54 : i32 to vector<80x384xi32>
    %add3A_56 = arith.addi %bitcast_convert_type3A_52, %add3A_55 : vector<80x384xi32>
    %shift_right_logical3A = arith.constant 16 : i32
    %shift_right_logical3A_57 = vector.broadcast %shift_right_logical3A : i32 to vector<80x384xi32>
    %shift_right_logical3A_58 = arith.shrui %add3A_56, %shift_right_logical3A_57 : vector<80x384xi32>
    %add3A_59 = arith.constant 32768 : i32
    %add3A_60 = vector.broadcast %add3A_59 : i32 to vector<80x384xi32>
    %add3A_61 = arith.addi %bitcast_convert_type3A_53, %add3A_60 : vector<80x384xi32>
    %and3A_62 = arith.constant -65536 : i32
    %and3A_63 = vector.broadcast %and3A_62 : i32 to vector<80x384xi32>
    %and3A_64 = arith.andi %add3A_61, %and3A_63 : vector<80x384xi32>
    %or3A = arith.ori %shift_right_logical3A_58, %and3A_64 : vector<80x384xi32>
    %bitcast_convert_type3A_65 = tpu.bitcast %or3A : vector<80x384xi32> -> vector<80x384xi32>
    %swap3A = arith.constant 0 : index
    %swap3A_66 = arith.constant 0 : index
    %swap3A_67 = vector.load %arg7[%swap3A, %swap3A_66] : memref<80x384xi32, #tpu.memory_space<vmem>>, vector<80x384xi32>
    tpu.vector_store %arg7[%swap3A, %swap3A_66], %bitcast_convert_type3A_65 {strides = array<i32>} : memref<80x384xi32, #tpu.memory_space<vmem>>, vector<80x384xi32>,
    return
  }
  func.func @transform_0(%arg0: i32, %arg1: memref<64xi32, #tpu.memory_space<smem>>) -> (i32, i32) {
    %c0_i32 = arith.constant 0 : i32
    %c0_i32_0 = arith.constant 0 : i32
    return %arg0, %c0_i32 : i32, i32
  }
  func.func @transform_1(%arg0: i32, %arg1: memref<64xi32, #tpu.memory_space<smem>>) -> (i32, i32, i32) {
    %c0_i32 = arith.constant 0 : i32
    %c0_i32_0 = arith.constant 0 : i32
    %c0_i32_1 = arith.constant 0 : i32
    return %arg0, %c0_i32, %c0_i32_0 : i32, i32, i32
  }
  func.func @transform_2(%arg0: i32, %arg1: memref<64xi32, #tpu.memory_space<smem>>) -> (i32, i32, i32) {
    %c0_i32 = arith.constant 0 : i32
    %c0_i32_0 = arith.constant 0 : i32
    %c0_i32_1 = arith.constant 0 : i32
    return %arg0, %c0_i32, %c0_i32_0 : i32, i32, i32
  }
  func.func @transform_3(%arg0: i32, %arg1: memref<64xi32, #tpu.memory_space<smem>>) -> (i32, i32, i32) {
    %c0_i32 = arith.constant 0 : i32
    %c0_i32_0 = arith.constant 0 : i32
    %c0_i32_1 = arith.constant 0 : i32
    return %arg0, %c0_i32, %c0_i32_0 : i32, i32, i32
  }
  func.func @transform_4(%arg0: i32, %arg1: memref<64xi32, #tpu.memory_space<smem>>) -> (i32, i32, i32) {
    %c0_i32 = arith.constant 0 : i32
    %c0_i32_0 = arith.constant 0 : i32
    %c0_i32_1 = arith.constant 0 : i32
    return %arg0, %c0_i32, %c0_i32_0 : i32, i32, i32
  }
  func.func @transform_5(%arg0: i32, %arg1: memref<64xi32, #tpu.memory_space<smem>>) -> (i32, i32) {
    %c0_i32 = arith.constant 0 : i32
    %c0_i32_0 = arith.constant 0 : i32
    return %arg0, %c0_i32 : i32, i32
  }
}

module attributes {stable_mosaic.version = 14 : i64} {
  func.func @_wadd_body(%arg0: i32, %arg1: memref<1024x384xi32, #tpu.memory_space<vmem>>, %arg2: memref<1024x384xi32, #tpu.memory_space<vmem>>, %arg3: memref<1024x1xf32, #tpu.memory_space<vmem>>, %arg4: memref<1024x1xf32, #tpu.memory_space<vmem>>, %arg5: memref<1024x768xf32, #tpu.memory_space<vmem>>) attributes {dimension_semantics = [#tpu.dimension_semantics<arbitrary>], iteration_bounds = array<i64: 2>, scalar_prefetch = 0 : i64, scratch_operands = 0 : i64, tpu.core_type = #tpu.core_type<tc>, window_params = [{transform_indices = @transform_0, window_bounds = array<i64: 1024, 384>}, {transform_indices = @transform_1, window_bounds = array<i64: 1024, 384>}, {transform_indices = @transform_2, window_bounds = array<i64: 1024, 1>}, {transform_indices = @transform_3, window_bounds = array<i64: 1024, 1>}, {transform_indices = @transform_4, window_bounds = array<i64: 1024, 768>}]} {
    %get3A = arith.constant 0 : index
    %get3A_0 = arith.constant 0 : index
    %get3A_1 = vector.load %arg1[%get3A, %get3A_0] : memref<1024x384xi32, #tpu.memory_space<vmem>>, vector<1024x384xi32>
    %shift_left3A = arith.constant 16 : i32
    %shift_left3A_2 = vector.broadcast %shift_left3A : i32 to vector<1024x384xi32>
    %shift_left3A_3 = arith.shli %get3A_1, %shift_left3A_2 : vector<1024x384xi32>
    %bitcast_convert_type3A = tpu.bitcast %shift_left3A_3 : vector<1024x384xi32> -> vector<1024x384xf32>
    %and3A = arith.constant -65536 : i32
    %and3A_4 = vector.broadcast %and3A : i32 to vector<1024x384xi32>
    %and3A_5 = arith.andi %get3A_1, %and3A_4 : vector<1024x384xi32>
    %bitcast_convert_type3A_6 = tpu.bitcast %and3A_5 : vector<1024x384xi32> -> vector<1024x384xf32>
    %get3A_7 = arith.constant 0 : index
    %get3A_8 = arith.constant 0 : index
    %get3A_9 = vector.load %arg2[%get3A_7, %get3A_8] : memref<1024x384xi32, #tpu.memory_space<vmem>>, vector<1024x384xi32>
    %shift_left3A_10 = arith.constant 16 : i32
    %shift_left3A_11 = vector.broadcast %shift_left3A_10 : i32 to vector<1024x384xi32>
    %shift_left3A_12 = arith.shli %get3A_9, %shift_left3A_11 : vector<1024x384xi32>
    %bitcast_convert_type3A_13 = tpu.bitcast %shift_left3A_12 : vector<1024x384xi32> -> vector<1024x384xf32>
    %and3A_14 = arith.constant -65536 : i32
    %and3A_15 = vector.broadcast %and3A_14 : i32 to vector<1024x384xi32>
    %and3A_16 = arith.andi %get3A_9, %and3A_15 : vector<1024x384xi32>
    %bitcast_convert_type3A_17 = tpu.bitcast %and3A_16 : vector<1024x384xi32> -> vector<1024x384xf32>
    %get3A_18 = arith.constant 0 : index
    %get3A_19 = arith.constant 0 : index
    %get3A_20 = vector.load %arg3[%get3A_18, %get3A_19] : memref<1024x1xf32, #tpu.memory_space<vmem>>, vector<1024x1xf32>
    %get3A_21 = arith.constant 0 : index
    %get3A_22 = arith.constant 0 : index
    %get3A_23 = vector.load %arg4[%get3A_21, %get3A_22] : memref<1024x1xf32, #tpu.memory_space<vmem>>, vector<1024x1xf32>
    %mul3A = vector.broadcast %get3A_20 : vector<1024x1xf32> to vector<1024x384xf32>
    %mul3A_24 = arith.mulf %mul3A, %bitcast_convert_type3A : vector<1024x384xf32>
    %mul3A_25 = vector.broadcast %get3A_23 : vector<1024x1xf32> to vector<1024x384xf32>
    %mul3A_26 = arith.mulf %mul3A_25, %bitcast_convert_type3A_13 : vector<1024x384xf32>
    %add3A = arith.addf %mul3A_24, %mul3A_26 : vector<1024x384xf32>
    %mul3A_27 = vector.broadcast %get3A_20 : vector<1024x1xf32> to vector<1024x384xf32>
    %mul3A_28 = arith.mulf %mul3A_27, %bitcast_convert_type3A_6 : vector<1024x384xf32>
    %mul3A_29 = vector.broadcast %get3A_23 : vector<1024x1xf32> to vector<1024x384xf32>
    %mul3A_30 = arith.mulf %mul3A_29, %bitcast_convert_type3A_17 : vector<1024x384xf32>
    %add3A_31 = arith.addf %mul3A_28, %mul3A_30 : vector<1024x384xf32>
    %concatenate3A = tpu.concatenate %add3A, %add3A_31 in 1 : vector<1024x384xf32>, vector<1024x384xf32> -> vector<1024x768xf32>
    %swap3A = arith.constant 0 : index
    %swap3A_32 = arith.constant 0 : index
    %swap3A_33 = vector.load %arg5[%swap3A, %swap3A_32] : memref<1024x768xf32, #tpu.memory_space<vmem>>, vector<1024x768xf32>
    tpu.vector_store %arg5[%swap3A, %swap3A_32], %concatenate3A {strides = array<i32>} : memref<1024x768xf32, #tpu.memory_space<vmem>>, vector<1024x768xf32>,
    return
  }
  func.func @transform_0(%arg0: i32) -> (i32, i32) {
    %c0_i32 = arith.constant 0 : i32
    %c0_i32_0 = arith.constant 0 : i32
    return %arg0, %c0_i32 : i32, i32
  }
  func.func @transform_1(%arg0: i32) -> (i32, i32) {
    %add3A = arith.constant 2 : i32
    %add3A_0 = arith.addi %add3A, %arg0 : i32
    %c0_i32 = arith.constant 0 : i32
    %c0_i32_1 = arith.constant 0 : i32
    return %add3A_0, %c0_i32 : i32, i32
  }
  func.func @transform_2(%arg0: i32) -> (i32, i32) {
    %c0_i32 = arith.constant 0 : i32
    %c0_i32_0 = arith.constant 0 : i32
    return %arg0, %c0_i32 : i32, i32
  }
  func.func @transform_3(%arg0: i32) -> (i32, i32) {
    %add3A = arith.constant 2 : i32
    %add3A_0 = arith.addi %add3A, %arg0 : i32
    %c0_i32 = arith.constant 0 : i32
    %c0_i32_1 = arith.constant 0 : i32
    return %add3A_0, %c0_i32 : i32, i32
  }
  func.func @transform_4(%arg0: i32) -> (i32, i32) {
    %c0_i32 = arith.constant 0 : i32
    %c0_i32_0 = arith.constant 0 : i32
    return %arg0, %c0_i32 : i32, i32
  }
}

</mosaic_0001>

<sc_bundles>
// kernel: kernel.10.cloned.1.call-start
scs
__scs_entry_jumppad:
0x0: {  	(pc) =	sbr.rel $0x88, $3  }
0x1: {  	(tag) =	ssettag $0x0;
	lr =	simm.s32 $0x1  }
0x2: {  	[smem:$0x3F9B] =	sst lr;
	_ =	strace $0xD0000000  }
0x3: {  	_ = 	snop  }
0x4: {  	_ = 	snop  }
0x5: {  	_ = 	snop  }
0x6: {  	_ = 	snop  }
0x7: {  	_ = 	snop  }
__scs_overlays_trampoline_lowered:
0x8: {  	[smem:$0x3FAA] =	sst s0  }
0x9: {  	[smem:$0x3FAB] =	sst s1  }
0xa: {  	[smem:$0x3FAC] =	sst s2  }
0xb: {  	[smem:$0x3FAD] =	sst s3  }
0xc: {  	[smem:$0x3FAE] =	sst s4  }
0xd: {  	[smem:$0x3FAF] =	sst s5  }
0xe: {  	[smem:$0x3FB0] =	sst s6  }
0xf: {  	[smem:$0x3FB1] =	sst s7  }
0x10: {  	[smem:$0x3FB2] =	sst s8  }
0x11: {  	[smem:$0x3FB3] =	sst s9;
	s0 =	simm.s32 @!p0 $0x0  }
0x12: {  	s1 =	sld [smem:$0x3F99];
	s0 =	simm.s32 @p0 $0x1  }
0x13: {  	[smem:$0x3FB4] =	sst s0;
	s0 =	simm.s32 @!p1 $0x0  }
0x14: {  	s2 =	sld [smem:$0x3F98];
	s0 =	simm.s32 @p1 $0x1  }
0x15: {  	[smem:$0x3FB5] =	sst s0;
	s0 =	simm.s32 @!p2 $0x0  }
0x16: {  	s3 =	sld [smem:$0x3FDB];
	s0 =	simm.s32 @p2 $0x1  }
0x17: {  	s4 =	simm.s32 $0x1BF5;
	[smem:$0x3FB7] =	sst s0  }
0x18: {  	s0 =	sld [smem:$0x3F9A];
	_ =	swait.ge [sflag:s4], $0x0  }
0x19: {  	s7 =	sld [smem:$0x3F9B]  }
0x1a: {  	s8 =	sadd.s32 $0xFFFFE003, lr  }
0x1b: {  	s9 =	sadd.s32 $0xFFFFFEF7, lr;
	s5 =	simm.s32 $0xFFFFFFFF;
	p2 =	slt.u32 s8, $0xFFFFF086  }
0x1c: {  	p1 =	slt.u32 s9, $0xF7A;
	s5 =	simm.s32 @!p2 $0x0  }
0x1d: {  	s5 =	simm.s32 @p1 $0x1;
	p0 =	seq.s32 s7, s2  }
0x1e: {  	s7 =	smul.u32 @!p0 $0xF7A, s2;
	p2 =	seq.s32 @!p0 s5, $0x0  }
0x1f: {  	s9 =	smul.u32 $0xF7A, s1;
	s8 =	simm.s32 @!p0 $0x1BF5;
	p2 =	por !p2, p0  }
0x20: {  	[sflag:s8] =	ssyncset.s32 @!p0 $0xFFFFF086;
	s6 =	sadd.s32 @!p0 s3, s7;
	s7 =	simm.s32 @!p0 $0x108  }
0x21: {  	s3 =	sadd.s32 s3, s9;
	s6 =	sadd.s32 @!p0 $0x88, s6;
	s7 =	simm.s32 @p2 $0x1082  }
0x22: {  	[simem:s7], [sflag:s8] =	dma.local @!p0 [hbm:s6], $0xF7A  }
0x23: {  	s9 =	sor.u32 $0xD0000000, s2;
	s6 =	simm.s32 $0x108;
	_ =	swait.ge @!p0 [sflag:s8], $0x0  }
0x24: {  	s3 =	sadd.s32 $0x88, s3;
	s6 =	simm.s32 @!p1 $0x1082;
	[sflag:s4] =	ssyncset.s32 $0xFFFFF086  }
0x25: {  	[simem:s6], [sflag:s4] =	dma.local [hbm:s3], $0xF7A  }
0x26: {  	[smem:$0x3F9B] =	sst s1;
	(tag) =	ssettag s2;
	_ =	strace s9  }
0x27: {  	s1 =	sld [smem:$0x3FAB]  }
0x28: {  	s2 =	sld [smem:$0x3FAC]  }
0x29: {  	s4 =	sld [smem:$0x3FAE]  }
0x2a: {  	p0 =	seq.s32 s5, $0x0;
	s5 =	sld [smem:$0x3FAF]  }
0x2b: {  	s6 =	sld [smem:$0x3FB0]  }
0x2c: {  	s7 =	sld [smem:$0x3FB1]  }
0x2d: {  	s3 =	simm.s32 $0x108;
	s8 =	sld [smem:$0x3FB2]  }
0x2e: {  	s3 =	simm.s32 @!p0 $0x1082;
	s9 =	sld [smem:$0x3FB3]  }
0x2f: {  	lr =	sadd.s32 s0, s3;
	s0 =	sld [smem:$0x3FAA]  }
0x30: {  	s3 =	sld [smem:$0x3FAD]  }
0x31: {  	[smem:$0x3FB6] =	sst s10  }
0x32: {  	s10 =	sld [smem:$0x3FB4];
	_ =	sdelay $0x3  }
0x33: {  	p0 =	seq.s32 s10, $0x1;
	s10 =	sld [smem:$0x3FB6];
	_ =	sdelay $0x3  }
0x34: {  	[smem:$0x3FB6] =	sst s10  }
0x35: {  	s10 =	sld [smem:$0x3FB5];
	_ =	sdelay $0x3  }
0x36: {  	p1 =	seq.s32 s10, $0x1;
	s10 =	sld [smem:$0x3FB6];
	_ =	sdelay $0x3  }
0x37: {  	[smem:$0x3FB6] =	sst s10  }
0x38: {  	s10 =	sld [smem:$0x3FB7]  }
0x39: {  	_ = 	snop;
	(pc) =	sbr.ind lr, $3  }
0x3a: {  	_ = 	snop  }
0x3b: {  	_ = 	snop  }
0x3c: {  	p2 =	seq.s32 s10, $0x1;
	s10 =	sld [smem:$0x3FB6]  }
0x3d: {  	_ =	shalt  }
0x3e: {  	_ =	shalt  }
0x3f: {  	_ =	shalt  }
0x40: {  	_ =	shalt  }
0x41: {  	_ =	shalt  }
0x42: {  	_ =	shalt  }
0x43: {  	_ =	shalt  }
0x44: {  	_ =	shalt  }
0x45: {  	_ =	shalt  }
0x46: {  	_ =	shalt  }
0x47: {  	_ =	shalt  }
0x48: {  	_ =	shalt  }
0x49: {  	_ =	shalt  }
0x4a: {  	_ =	shalt  }
0x4b: {  	_ =	shalt  }
0x4c: {  	_ =	shalt  }
0x4d: {  	_ =	shalt  }
0x4e: {  	_ =	shalt  }
0x4f: {  	_ =	shalt  }
0x50: {  	_ =	shalt  }
0x51: {  	_ =	shalt  }
0x52: {  	_ =	shalt  }
0x53: {  	_ =	shalt  }
0x54: {  	_ =	shalt  }
0x55: {  	_ =	shalt  }
0x56: {  	_ =	shalt  }
0x57: {  	_ =	shalt  }
0x58: {  	_ =	shalt  }
0x59: {  	_ =	shalt  }
0x5a: {  	_ =	shalt  }
0x5b: {  	_ =	shalt  }
0x5c: {  	_ =	shalt  }
0x5d: {  	_ =	shalt  }
0x5e: {  	_ =	shalt  }
0x5f: {  	_ =	shalt  }
0x60: {  	_ =	shalt  }
0x61: {  	_ =	shalt  }
0x62: {  	_ =	shalt  }
0x63: {  	_ =	shalt  }
0x64: {  	_ =	shalt  }
0x65: {  	_ =	shalt  }
0x66: {  	_ =	shalt  }
0x67: {  	_ =	shalt  }
0x68: {  	_ =	shalt  }
0x69: {  	_ =	shalt  }
0x6a: {  	_ =	shalt  }
0x6b: {  	_ =	shalt  }
0x6c: {  	_ =	shalt  }
0x6d: {  	_ =	shalt  }
0x6e: {  	_ =	shalt  }
0x6f: {  	_ =	shalt  }
0x70: {  	_ =	shalt  }
0x71: {  	_ =	shalt  }
0x72: {  	_ =	shalt  }
0x73: {  	_ =	shalt  }
0x74: {  	_ =	shalt  }
0x75: {  	_ =	shalt  }
0x76: {  	_ =	shalt  }
0x77: {  	_ =	shalt  }
0x78: {  	_ =	shalt  }
0x79: {  	_ =	shalt  }
0x7a: {  	_ =	shalt  }
0x7b: {  	_ =	shalt  }
0x7c: {  	_ =	shalt  }
0x7d: {  	_ =	shalt  }
0x7e: {  	_ =	shalt  }
0x7f: {  	_ =	shalt  }
0x80: {  	_ =	shalt  }
0x81: {  	_ =	shalt  }
0x82: {  	_ =	shalt  }
0x83: {  	_ =	shalt  }
0x84: {  	_ =	shalt  }
0x85: {  	_ =	shalt  }
0x86: {  	_ =	shalt  }
0x87: {  	_ =	shalt  }
.Lfunc_end0:
.L_simem_size_0:
called_computation.1_lowered:
.L_overlay_start_0:
0x88: {  	s2 =	sld [smem:$0x3FD9]  }
0x89: {  	s3 =	sld [smem:$0x3FFE];
	_ =	sdelay $0x1  }
0x8a: {  	s1 =	srdreg.scid  }
0x8b: {  	s0 =	sand.u32 $0x1, s1  }
0x8c: {  	s17 =	sshll.u32 s0, $0xA;
	s2 =	sadd.s32 s3, s2  }
0x8d: {  	s2 =	sadd.s32 s2, s17  }
0x8e: {  	[smem:$0x3FC2] =	sst s2  }
0x8f: {  	_ = 	snop  }
0x90: {  	s2 =	sld [smem:$0x3FD0];
	(tm) =	ssettm $0x1  }
0x91: {  	s18 =	sld [smem:$0x3FFB];
	_ =	sdelay $0x3  }
0x92: {  	_ =	strace s18  }
0x93: {  	s3 =	sld [smem:$0x3FFC];
	_ =	sdelay $0x3  }
0x94: {  	_ =	strace s3  }
0x95: {  	s3 =	sld [smem:$0x3FFD];
	_ =	sdelay $0x3  }
0x96: {  	_ =	strace s3  }
0x97: {  	_ =	strace $0x8FFFFFFF  }
0x98: {  	s19 =	sld [smem:$0x3FDB];
	_ =	sdelay $0x1  }
0x99: {  	s4 =	simm.s32 $_scs_section_size  }
0x9a: {  	s5 =	simm.s32 $_size__tile_overlayer_lowered;
	s6 =	simm.s32 $_tile_overlayer_lowered  }
0x9b: {  	s22 =	simm.s32 $0x1BFF;
	s21 =	sshll.u32 s6, $0x1;
	s3 =	sadd.s32 s4, s19  }
0x9c: {  	s7 =	simm.s32 $0x0;
	s20 =	sshll.u32 s5, $0x1;
	s5 =	sadd.s32 s21, s3  }
0x9d: {  	[timem:s7], [sflag:s22] =	dma.local [hbm:s5], s20  }
0x9e: {  	_ =	swait.ge [sflag:s22], s20  }
0x9f: {  	s4 =	ssub.s32 $0x0, s20;
	[sflag:s22] =	ssyncset.done $0x0  }
0xa0: {  	[sflag:s22] =	ssyncadd.s32 s4;
	_ =	sdelay $0x1  }
0xa1: {  	s23 =	simm.s32 $0x1B8B  }
0xa2: {  	_ =	swait.ge [sflag:s23], $0x1  }
0xa3: {  	[sflag:s23] =	ssyncset.done $0x0  }
0xa4: {  	s25 =	simm.s32 $0x1B8E;
	s24 =	sld [smem:$0x3FFE];
	[sflag:s23] =	ssyncadd.s32 $0xFFFFFFFF  }
0xa5: {  	s26 =	simm.s32 $execute0_lowered;
	[smem:$0x3FD2] =	sst s25  }
0xa6: {  	s5 =	sshll.u32 s26, $0x1;
	_ =	strace $0x80000049;
	[dreg:$0x1] =	wrdreg $0xFFFFFFFF  }
0xa7: {  	s28 =	simm.s32 $_size_execute0_lowered;
	s3 =	sadd.s32 s3, s5;
	[dreg:$0x0] =	wrdreg $0x0  }
0xa8: {  	s5 =	sshll.u32 s28, $0x1;
	[dreg:$0x2] =	wrdreg s3  }
0xa9: {  	[dreg:$0x3] =	wrdreg s5  }
0xaa: {  	[dreg:$0x4] =	wrdreg $0xC0  }
0xab: {  	_ =	task [dreg:s7], $0x5FFFF  }
0xac: {  	[dreg:$0x1] =	wrdreg $0xFFFFFFFF  }
0xad: {  	[dreg:$0x0] =	wrdreg $0x60  }
0xae: {  	[dreg:$0x2] =	wrdreg s24  }
0xaf: {  	[dreg:$0x3] =	wrdreg s2  }
0xb0: {  	[dreg:$0x4] =	wrdreg $0x9  }
0xb1: {  	_ =	task.clear_ibuf [dreg:s7], $0x5FFFF;
	_ =	strace $0x90000049  }
0xb2: {  	s29 =	simm.s32 $0x9;
	_ =	strace $0x8000004B  }
0xb3: {  	_ =	swait.ge [sflag:s29], $0x1  }
0xb4: {  	[sflag:s29] =	ssyncadd.s32 $0xFFFFFFFF  }
0xb5: {  	_ =	strace $0x9000004B  }
0xb6: {  	_ =	sfence  }
0xb7: {  	s30 =	sld [smem:$0x0];
	_ =	sdelay $0x2  }
0xb8: {  	s31 =	sshll.u32 s1, $0xD;
	s1 =	sshrl.u32 s1, $0x2  }
0xb9: {  	s3 =	sand.u32 $0x4000, s31;
	s1 =	sadd.s32 s1, s30  }
0xba: {  	s0 =	sor.u32 s3, s0;
	s1 =	sshll.u32 s1, $0x11  }
0xbb: {  	s0 =	sor.u32 s1, s0  }
0xbc: {  	s0 =	sadd.s32 $0x8F2B, s0  }
0xbd: {  	[sflag:s0] =	ssyncadd.remote.s32 $0x1  }
0xbe: {  	_ =	sfence.sel $0xFFFF  }
0xbf: {  	[dreg:$0x0] =	wrdreg $0xFFFFFFFF;
	(pc) =	sbr.abs _section_cstart, $3  }
0xc0: {  	[dreg:$0x1] =	wrdreg $0xFFFFFFFF  }
0xc1: {  	_ =	task.clear_ibuf [dreg:s7], $0x2FFFF;
	_ =	strace $0x9FFFFFFF  }
0xc2: {  	(tm) =	ssettm $0x7FFFFFFF  }
0xc3: {  	_ =	shalt  }
tec
execute0_lowered:
.L_overlay_start_1:
0x0: {  	(tag) =	ssettag $0x1  }
0x1: {  	s0 =	rddreg [dreg:$0x0]  }
0x2: {  	s3 =	rddreg [dreg:$0x1]  }
0x3: {  	s4 =	srdreg.scid;
	s2 =	simm.s32 $0x0;
	s1 =	stileid.u32  }
0x4: {  	s16 =	simm.s32 $0x80;
	s17 =	simm.s32 $0x900;
	s18 =	simm.s32 $0xD00  }
0x5: {  	s19 =	simm.s32 $0x1500;
	s20 =	simm.s32 $0x1900;
	[smem:$0x7FF] =	sst s2  }
0x6: {  	s21 =	simm.s32 $0x2100;
	_ =	strace $0x8000004A;
	[dreg:$0x7] =	wrdreg s16  }
0x7: {  	s23 =	simm.s32 $0x2500;
	s24 =	simm.s32 $0x2D00;
	[dreg:$0x8] =	wrdreg s17  }
0x8: {  	s25 =	simm.s32 $0x3100;
	s26 =	simm.s32 $0x3900;
	[dreg:$0x9] =	wrdreg s18  }
0x9: {  	s9 =	simm.s32 $0x4500;
	s10 =	simm.s32 $0x4900;
	[dreg:$0xa] =	wrdreg s19  }
0xa: {  	s11 =	simm.s32 $0x5100;
	s12 =	simm.s32 $0x5500;
	[dreg:$0xb] =	wrdreg s20  }
0xb: {  	s13 =	simm.s32 $0x5D00;
	s28 =	simm.s32 $0xB100;
	[dreg:$0xc] =	wrdreg s21  }
0xc: {  	s29 =	simm.s32 $0xB500;
	s30 =	simm.s32 $0xBD00;
	[dreg:$0xd] =	wrdreg s23  }
0xd: {  	s31 =	simm.s32 $0x1;
	s4 =	sand.u32 $0x1, s4;
	[dreg:$0xe] =	wrdreg s24  }
0xe: {  	s5 =	sshll.u32 s1, $0x5;
	s7 =	sadd.s32 $0x3EE00, s0;
	[dreg:$0xf] =	wrdreg s25  }
0xf: {  	s6 =	sshll.u32 s4, $0x4;
	s4 =	ssub.s32 $0x2, s4;
	[dreg:$0x10] =	wrdreg s26  }
0x10: {  	s16 =	simm.s32 $0x6D00;
	s17 =	simm.s32 $0x7500;
	s18 =	simm.s32 $0x7900  }
0x11: {  	s19 =	simm.s32 $0x8100;
	s20 =	simm.s32 $0x8500;
	s21 =	simm.s32 $0x8D00  }
0x12: {  	s23 =	simm.s32 $0x9900;
	s24 =	simm.s32 $0x9D00;
	s25 =	simm.s32 $0xA500  }
0x13: {  	s26 =	simm.s32 $0xA900;
	s5 =	sor.u32 s6, s5;
	s22 =	sshrl.u32 s4, $0x1  }
0x14: {  	s6 =	sadd.s32 s7, s5;
	s8 =	sor.u32 $0x8, s5;
	s5 =	smul.u32 $0x180, s5  }
0x15: {  	[dreg:$0x3] =	wrdreg s6;
	s14 =	sadd.s32 s7, s8;
	s15 =	smul.u32 $0x180, s8  }
0x16: {  	s6 =	ssub.s32 s4, s22;
	s4 =	sadd.s32 $0xF00, s0;
	s7 =	simm.s32 $0x100  }
0x17: {  	s22 =	simm.s32 $0x9100;
	[dreg:$0x4] =	wrdreg s14;
	s5 =	sadd.s32 s3, s5  }
0x18: {  	v2 =	vlaneseq.u32;
	s14 =	simm.s32 $0x6100;
	[dreg:$0x5] =	wrdreg s5;
	s3 =	sadd.s32 s3, s15  }
0x19: {  	vm0 =	vmmov $0xffff;
	vm1 =	vmmov $0xff;
	v1 =	vshrl.u32 v2, $0x3;
	s5 =	smax.u32 s6, $0x1;
	s6 =	simm.s32 $0x3;
	s15 =	simm.s32 $0x6900  }
0x1a: {  	v0 =	vand.u32 $0x7, v2;
	v2 =	vor.u32 $0x8, v2;
	v1 =	vmul.u32 $0x8, v1;
	[dreg:$0x6] =	wrdreg s3;
	s3 =	sadd.s32 $0xE00, s0;
	s0 =	simm.s32 $0x2  }
.LBB2_1:
0x1b: {  	s1 =	rddreg [dreg:$0x3]  }
0x1c: {  	[tilespmem:s2], [sflag:$0x3] =	stream.linear.gather [hbm4b:s1+s2], $0x40, $0x38;
	[tilespmem:$0xC100] =	vst v63  }
0x1d: {  	_ =	swait.ge [sflag:s6], $0x40  }
0x1e: {  	s1 =	rddreg [dreg:$0x4];
	[sflag:s6] =	ssyncset.done $0x0  }
0x1f: {  	s8 =	rddreg [dreg:$0x7];
	[sflag:s6] =	ssyncadd.s32 $0xFFFFFFC0  }
0x20: {  	[tilespmem:s8], [sflag:$0x3] =	stream.linear.gather [hbm4b:s1+s2], $0x40, $0x38;
	[tilespmem:$0xC100] =	vst v63  }
0x21: {  	_ =	swait.ge [sflag:s6], $0x40  }
0x22: {  	[sflag:s6] =	ssyncset.done $0x0  }
0x23: {  	[sflag:s6] =	ssyncadd.s32 $0xFFFFFFC0  }
0x24: {  	v3 =	vld [tilespmem:$0x0];
	_ =	sdelay $0x4  }
0x25: {  	v4 =	vshrl.u32 v3, $0x3  }
0x26: {  	v4 =	vmul.u32 $0x18, v4  }
0x27: {  	v3 =	vand.u32 $0x7, v3  }
0x28: {  	v3 =	vor.u32 v3, v4  }
0x29: {  	v4 =	vperm.xlane v3, v0;
	_ =	sdelay $0x1  }
0x2a: {  	v4 =	vadd.s32 v1, v4;
	_ =	sdelay $0x1  }
0x2b: {  	v3 =	vperm.xlane v3, v2;
	_ =	sdelay $0x1  }
0x2c: {  	v3 =	vadd.s32 v1, v3  }
0x2d: {  	[tilespmem:s7], [sflag:$0x1] =	stream.indirect_vreg.gather [hbm4b:s3+s2], $0x80, v4, vm0, $0xb8;
	[tilespmem:$0xC100] =	vst v63  }
0x2e: {  	s1 =	rddreg [dreg:$0x8]  }
0x2f: {  	[tilespmem:s1], [sflag:$0x1] =	stream.indirect_vreg.gather [hbm4b:s4+s2], $0x80, v4, vm1, $0xb8;
	[tilespmem:$0xC100] =	vst v63  }
0x30: {  	s8 =	rddreg [dreg:$0x9]  }
0x31: {  	[tilespmem:s8], [sflag:$0x1] =	stream.indirect_vreg.gather [hbm4b:s3+s2], $0x80, v3, vm0, $0xb8;
	[tilespmem:$0xC100] =	vst v63  }
0x32: {  	s1 =	rddreg [dreg:$0xa]  }
0x33: {  	[tilespmem:s1], [sflag:$0x1] =	stream.indirect_vreg.gather [hbm4b:s4+s2], $0x80, v3, vm1, $0xb8;
	[tilespmem:$0xC100] =	vst v63  }
0x34: {  	v3 =	vld [tilespmem:$0x10];
	_ =	sdelay $0x4  }
0x35: {  	v57 =	vshrl.u32 v3, $0x3  }
0x36: {  	v4 =	vmul.u32 $0x18, v57  }
0x37: {  	v3 =	vand.u32 $0x7, v3  }
0x38: {  	v3 =	vor.u32 v3, v4  }
0x39: {  	v4 =	vperm.xlane v3, v0;
	_ =	sdelay $0x1  }
0x3a: {  	v4 =	vadd.s32 v1, v4;
	_ =	sdelay $0x1  }
0x3b: {  	v3 =	vperm.xlane v3, v2;
	_ =	sdelay $0x1  }
0x3c: {  	s1 =	rddreg [dreg:$0xb];
	v3 =	vadd.s32 v1, v3  }
0x3d: {  	[tilespmem:s1], [sflag:$0x1] =	stream.indirect_vreg.gather [hbm4b:s3+s2], $0x80, v4, vm0, $0xb8;
	[tilespmem:$0xC100] =	vst v63  }
0x3e: {  	s8 =	rddreg [dreg:$0xc]  }
0x3f: {  	[tilespmem:s8], [sflag:$0x1] =	stream.indirect_vreg.gather [hbm4b:s4+s2], $0x80, v4, vm1, $0xb8;
	[tilespmem:$0xC100] =	vst v63  }
0x40: {  	s1 =	rddreg [dreg:$0xd]  }
0x41: {  	[tilespmem:s1], [sflag:$0x1] =	stream.indirect_vreg.gather [hbm4b:s3+s2], $0x80, v3, vm0, $0xb8;
	[tilespmem:$0xC100] =	vst v63  }
0x42: {  	s8 =	rddreg [dreg:$0xe]  }
0x43: {  	[tilespmem:s8], [sflag:$0x1] =	stream.indirect_vreg.gather [hbm4b:s4+s2], $0x80, v3, vm1, $0xb8;
	[tilespmem:$0xC100] =	vst v63  }
0x44: {  	v3 =	vld [tilespmem:$0x20];
	_ =	sdelay $0x4  }
0x45: {  	v58 =	vshrl.u32 v3, $0x3  }
0x46: {  	v4 =	vmul.u32 $0x18, v58  }
0x47: {  	v3 =	vand.u32 $0x7, v3  }
0x48: {  	v3 =	vor.u32 v3, v4  }
0x49: {  	v4 =	vperm.xlane v3, v0;
	_ =	sdelay $0x1  }
0x4a: {  	v4 =	vadd.s32 v1, v4;
	_ =	sdelay $0x1  }
0x4b: {  	v3 =	vperm.xlane v3, v2;
	_ =	sdelay $0x1  }
0x4c: {  	s1 =	rddreg [dreg:$0xf];
	v3 =	vadd.s32 v1, v3  }
0x4d: {  	[tilespmem:s1], [sflag:$0x1] =	stream.indirect_vreg.gather [hbm4b:s3+s2], $0x80, v4, vm0, $0xb8;
	[tilespmem:$0xC100] =	vst v63  }
0x4e: {  	s8 =	rddreg [dreg:$0x10]  }
0x4f: {  	[tilespmem:s8], [sflag:$0x1] =	stream.indirect_vreg.gather [hbm4b:s4+s2], $0x80, v4, vm1, $0xb8;
	[tilespmem:$0xC100] =	vst v63  }
0x50: {  	s8 =	simm.s32 $0x3D00  }
0x51: {  	[tilespmem:s8], [sflag:$0x1] =	stream.indirect_vreg.gather [hbm4b:s3+s2], $0x80, v3, vm0, $0xb8;
	[tilespmem:$0xC100] =	vst v63  }
0x52: {  	_ = 	snop  }
0x53: {  	[tilespmem:s9], [sflag:$0x1] =	stream.indirect_vreg.gather [hbm4b:s4+s2], $0x80, v3, vm1, $0xb8;
	[tilespmem:$0xC100] =	vst v63  }
0x54: {  	v3 =	vld [tilespmem:$0x30];
	_ =	sdelay $0x4  }
0x55: {  	v59 =	vshrl.u32 v3, $0x3  }
0x56: {  	v4 =	vmul.u32 $0x18, v59  }
0x57: {  	v3 =	vand.u32 $0x7, v3  }
0x58: {  	v3 =	vor.u32 v3, v4  }
0x59: {  	v4 =	vperm.xlane v3, v0;
	_ =	sdelay $0x1  }
0x5a: {  	v4 =	vadd.s32 v1, v4;
	_ =	sdelay $0x1  }
0x5b: {  	v3 =	vperm.xlane v3, v2;
	_ =	sdelay $0x1  }
0x5c: {  	v3 =	vadd.s32 v1, v3  }
0x5d: {  	[tilespmem:s10], [sflag:$0x1] =	stream.indirect_vreg.gather [hbm4b:s3+s2], $0x80, v4, vm0, $0xb8;
	[tilespmem:$0xC100] =	vst v63  }
0x5e: {  	_ = 	snop  }
0x5f: {  	[tilespmem:s11], [sflag:$0x1] =	stream.indirect_vreg.gather [hbm4b:s4+s2], $0x80, v4, vm1, $0xb8;
	[tilespmem:$0xC100] =	vst v63  }
0x60: {  	_ = 	snop  }
0x61: {  	[tilespmem:s12], [sflag:$0x1] =	stream.indirect_vreg.gather [hbm4b:s3+s2], $0x80, v3, vm0, $0xb8;
	[tilespmem:$0xC100] =	vst v63  }
0x62: {  	_ = 	snop  }
0x63: {  	[tilespmem:s13], [sflag:$0x1] =	stream.indirect_vreg.gather [hbm4b:s4+s2], $0x80, v3, vm1, $0xb8;
	[tilespmem:$0xC100] =	vst v63  }
0x64: {  	v3 =	vld [tilespmem:$0x80];
	_ =	sdelay $0x4  }
0x65: {  	v60 =	vshrl.u32 v3, $0x3  }
0x66: {  	v4 =	vmul.u32 $0x18, v60  }
0x67: {  	v3 =	vand.u32 $0x7, v3  }
0x68: {  	v3 =	vor.u32 v3, v4  }
0x69: {  	v4 =	vperm.xlane v3, v0;
	_ =	sdelay $0x1  }
0x6a: {  	v4 =	vadd.s32 v1, v4;
	_ =	sdelay $0x1  }
0x6b: {  	v3 =	vperm.xlane v3, v2;
	_ =	sdelay $0x1  }
0x6c: {  	v3 =	vadd.s32 v1, v3  }
0x6d: {  	[tilespmem:s14], [sflag:$0x2] =	stream.indirect_vreg.gather [hbm4b:s3+s2], $0x80, v4, vm0, $0xb8;
	[tilespmem:$0xC100] =	vst v63  }
0x6e: {  	_ = 	snop  }
0x6f: {  	[tilespmem:s15], [sflag:$0x2] =	stream.indirect_vreg.gather [hbm4b:s4+s2], $0x80, v4, vm1, $0xb8;
	[tilespmem:$0xC100] =	vst v63  }
0x70: {  	_ = 	snop  }
0x71: {  	[tilespmem:s16], [sflag:$0x2] =	stream.indirect_vreg.gather [hbm4b:s3+s2], $0x80, v3, vm0, $0xb8;
	[tilespmem:$0xC100] =	vst v63  }
0x72: {  	_ = 	snop  }
0x73: {  	[tilespmem:s17], [sflag:$0x2] =	stream.indirect_vreg.gather [hbm4b:s4+s2], $0x80, v3, vm1, $0xb8;
	[tilespmem:$0xC100] =	vst v63  }
0x74: {  	v3 =	vld [tilespmem:$0x90];
	_ =	sdelay $0x4  }
0x75: {  	v61 =	vshrl.u32 v3, $0x3  }
0x76: {  	v4 =	vmul.u32 $0x18, v61  }
0x77: {  	v3 =	vand.u32 $0x7, v3  }
0x78: {  	v3 =	vor.u32 v3, v4  }
0x79: {  	v4 =	vperm.xlane v3, v0;
	_ =	sdelay $0x1  }
0x7a: {  	v4 =	vadd.s32 v1, v4;
	_ =	sdelay $0x1  }
0x7b: {  	v3 =	vperm.xlane v3, v2;
	_ =	sdelay $0x1  }
0x7c: {  	v3 =	vadd.s32 v1, v3  }
0x7d: {  	[tilespmem:s18], [sflag:$0x2] =	stream.indirect_vreg.gather [hbm4b:s3+s2], $0x80, v4, vm0, $0xb8;
	[tilespmem:$0xC100] =	vst v63  }
0x7e: {  	_ = 	snop  }
0x7f: {  	[tilespmem:s19], [sflag:$0x2] =	stream.indirect_vreg.gather [hbm4b:s4+s2], $0x80, v4, vm1, $0xb8;
	[tilespmem:$0xC100] =	vst v63  }
0x80: {  	_ = 	snop  }
0x81: {  	[tilespmem:s20], [sflag:$0x2] =	stream.indirect_vreg.gather [hbm4b:s3+s2], $0x80, v3, vm0, $0xb8;
	[tilespmem:$0xC100] =	vst v63  }
0x82: {  	_ = 	snop  }
0x83: {  	[tilespmem:s21], [sflag:$0x2] =	stream.indirect_vreg.gather [hbm4b:s4+s2], $0x80, v3, vm1, $0xb8;
	[tilespmem:$0xC100] =	vst v63  }
0x84: {  	v3 =	vld [tilespmem:$0xA0];
	_ =	sdelay $0x4  }
0x85: {  	v62 =	vshrl.u32 v3, $0x3  }
0x86: {  	v4 =	vmul.u32 $0x18, v62  }
0x87: {  	v3 =	vand.u32 $0x7, v3  }
0x88: {  	v3 =	vor.u32 v3, v4  }
0x89: {  	v4 =	vperm.xlane v3, v0;
	_ =	sdelay $0x1  }
0x8a: {  	v4 =	vadd.s32 v1, v4;
	_ =	sdelay $0x1  }
0x8b: {  	v3 =	vperm.xlane v3, v2;
	_ =	sdelay $0x1  }
0x8c: {  	v3 =	vadd.s32 v1, v3  }
0x8d: {  	[tilespmem:s22], [sflag:$0x2] =	stream.indirect_vreg.gather [hbm4b:s3+s2], $0x80, v4, vm0, $0xb8;
	[tilespmem:$0xC100] =	vst v63  }
0x8e: {  	_ = 	snop  }
0x8f: {  	[tilespmem:s23], [sflag:$0x2] =	stream.indirect_vreg.gather [hbm4b:s4+s2], $0x80, v4, vm1, $0xb8;
	[tilespmem:$0xC100] =	vst v63  }
0x90: {  	_ = 	snop  }
0x91: {  	[tilespmem:s24], [sflag:$0x2] =	stream.indirect_vreg.gather [hbm4b:s3+s2], $0x80, v3, vm0, $0xb8;
	[tilespmem:$0xC100] =	vst v63  }
0x92: {  	_ = 	snop  }
0x93: {  	[tilespmem:s25], [sflag:$0x2] =	stream.indirect_vreg.gather [hbm4b:s4+s2], $0x80, v3, vm1, $0xb8;
	[tilespmem:$0xC100] =	vst v63  }
0x94: {  	v3 =	vld [tilespmem:$0xB0];
	_ =	sdelay $0x4  }
0x95: {  	v63 =	vshrl.u32 v3, $0x3  }
0x96: {  	v4 =	vmul.u32 $0x18, v63  }
0x97: {  	v3 =	vand.u32 $0x7, v3  }
0x98: {  	v3 =	vor.u32 v3, v4  }
0x99: {  	v4 =	vperm.xlane v3, v0;
	_ =	sdelay $0x1  }
0x9a: {  	v4 =	vadd.s32 v1, v4;
	_ =	sdelay $0x1  }
0x9b: {  	v3 =	vperm.xlane v3, v2;
	_ =	sdelay $0x1  }
0x9c: {  	v3 =	vadd.s32 v1, v3  }
0x9d: {  	[tilespmem:s26], [sflag:$0x2] =	stream.indirect_vreg.gather [hbm4b:s3+s2], $0x80, v4, vm0, $0xb8;
	[tilespmem:$0xC100] =	vst v63  }
0x9e: {  	_ = 	snop  }
0x9f: {  	[tilespmem:s28], [sflag:$0x2] =	stream.indirect_vreg.gather [hbm4b:s4+s2], $0x80, v4, vm1, $0xb8;
	[tilespmem:$0xC100] =	vst v63  }
0xa0: {  	_ = 	snop  }
0xa1: {  	[tilespmem:s29], [sflag:$0x2] =	stream.indirect_vreg.gather [hbm4b:s3+s2], $0x80, v3, vm0, $0xb8;
	[tilespmem:$0xC100] =	vst v63  }
0xa2: {  	_ = 	snop  }
0xa3: {  	[tilespmem:s30], [sflag:$0x2] =	stream.indirect_vreg.gather [hbm4b:s4+s2], $0x80, v3, vm1, $0xb8;
	[tilespmem:$0xC100] =	vst v63  }
0xa4: {  	_ =	swait.ge [sflag:s31], $0x6000  }
0xa5: {  	[sflag:s31] =	ssyncset.done $0x0  }
0xa6: {  	s8 =	rddreg [dreg:$0x5];
	[sflag:s31] =	ssyncadd.s32 $0xFFFFA000  }
0xa7: {  	[hbm4b:s8+s2] =	stream.linear.scatter [tilespmem:s7], [sflag:$0x1], $0x6000, $0x38;
	[tilespmem:$0xC100] =	vst v63  }
0xa8: {  	_ =	swait.ge [sflag:s0], $0x6000  }
0xa9: {  	[sflag:s0] =	ssyncset.done $0x0  }
0xaa: {  	s8 =	rddreg [dreg:$0x6];
	[sflag:s0] =	ssyncadd.s32 $0xFFFFA000  }
0xab: {  	[hbm4b:s8+s2] =	stream.linear.scatter [tilespmem:s14], [sflag:$0x2], $0x6000, $0x38;
	[tilespmem:$0xC100] =	vst v63  }
0xac: {  	p0 =	sne.s32 s5, $0x1;
	_ =	swait.ge [sflag:s31], $0x6000  }
.Ltmp0:
0xad: {  	[sflag:s31] =	ssyncset.done $0x0;
	(pc) =	sbr.rel @p0 .LBB2_1-.Ltmp0, $4  }
0xae: {  	[sflag:s31] =	ssyncadd.s32 $0xFFFFA000  }
0xaf: {  	_ =	swait.ge [sflag:s0], $0x6000  }
0xb0: {  	[sflag:s0] =	ssyncset.done $0x0  }
0xb1: {  	s5 =	sadd.s32 $0xFFFFFFFF, s5;
	[sflag:s0] =	ssyncadd.s32 $0xFFFFA000  }
0xb2: {  	_ =	sfence.sel $0x180000  }
0xb3: {  	[bflag:$0x0] =	sbarrier.arrive $0xFFFF  }
0xb4: {  	_ =	strace $0x9000004A  }
0xb5: {  	s0 =	stileid.u32;
	[bflag:$0x2] =	sbarrier.arrive $0xFFFF  }
0xb6: {  	p0 =	sne.s32 s0, $0x0;
	s0 =	rddreg [dreg:$0x2]  }
0xb7: {  	s0 =	sadd.s32 @!p0 $0x100000, s0  }
0xb8: {  	[sflag:s0] =	ssyncadd.tile.s32 @!p0 $0x1;
	_ =	shalt  }
.Lfunc_end2:
_tile_overlayer_lowered:
.L_overlay_start_2:
0xb9: {  	(tag) =	ssettag $0x2  }
0xba: {  	s0 =	rddreg [dreg:$0x0];
	s2 =	stileid.u32  }
0xbb: {  	s1 =	rddreg [dreg:$0x1];
	p0 =	sne.s32 s2, $0x0  }
0xbc: {  	s3 =	rddreg [dreg:$0x2];
	[bflag:$0x3] =	sbarrier.arrive $0xFFFF;
	s2 =	simm.s32 @!p0 $0x1C03  }
0xbd: {  	[timem:s3], [sflag:s2] =	dma.local @!p0 [hbm:s0], s1  }
0xbe: {  	s0 =	simm.s32 @!p0 $0x3  }
0xbf: {  	_ =	swait.ge @!p0 [sflag:s0], s1  }
0xc0: {  	s1 =	ssub.s32 @!p0 $0x0, s1;
	[sflag:s0] =	ssyncset.done @!p0 $0x0  }
0xc1: {  	[sflag:s0] =	ssyncadd.s32 @!p0 s1  }
0xc2: {  	[bflag:$0x3] =	sbarrier.arrive $0xFFFF  }
0xc3: {  	_ =	shalt  }

// kernel: kernel.7.cloned.1.call-start
scs
__scs_entry_jumppad:
0x0: {  	(pc) =	sbr.rel $0x88, $3  }
0x1: {  	(tag) =	ssettag $0x0;
	lr =	simm.s32 $0x1  }
0x2: {  	[smem:$0x3F9B] =	sst lr;
	_ =	strace $0xD0000000  }
0x3: {  	_ = 	snop  }
0x4: {  	_ = 	snop  }
0x5: {  	_ = 	snop  }
0x6: {  	_ = 	snop  }
0x7: {  	_ = 	snop  }
__scs_overlays_trampoline_lowered:
0x8: {  	[smem:$0x3FAA] =	sst s0  }
0x9: {  	[smem:$0x3FAB] =	sst s1  }
0xa: {  	[smem:$0x3FAC] =	sst s2  }
0xb: {  	[smem:$0x3FAD] =	sst s3  }
0xc: {  	[smem:$0x3FAE] =	sst s4  }
0xd: {  	[smem:$0x3FAF] =	sst s5  }
0xe: {  	[smem:$0x3FB0] =	sst s6  }
0xf: {  	[smem:$0x3FB1] =	sst s7  }
0x10: {  	[smem:$0x3FB2] =	sst s8  }
0x11: {  	[smem:$0x3FB3] =	sst s9;
	s0 =	simm.s32 @!p0 $0x0  }
0x12: {  	s1 =	sld [smem:$0x3F99];
	s0 =	simm.s32 @p0 $0x1  }
0x13: {  	[smem:$0x3FB4] =	sst s0;
	s0 =	simm.s32 @!p1 $0x0  }
0x14: {  	s2 =	sld [smem:$0x3F98];
	s0 =	simm.s32 @p1 $0x1  }
0x15: {  	[smem:$0x3FB5] =	sst s0;
	s0 =	simm.s32 @!p2 $0x0  }
0x16: {  	s3 =	sld [smem:$0x3FDB];
	s0 =	simm.s32 @p2 $0x1  }
0x17: {  	s4 =	simm.s32 $0x1BF5;
	[smem:$0x3FB7] =	sst s0  }
0x18: {  	s0 =	sld [smem:$0x3F9A];
	_ =	swait.ge [sflag:s4], $0x0  }
0x19: {  	s7 =	sld [smem:$0x3F9B]  }
0x1a: {  	s8 =	sadd.s32 $0xFFFFE003, lr  }
0x1b: {  	s9 =	sadd.s32 $0xFFFFFEF7, lr;
	s5 =	simm.s32 $0xFFFFFFFF;
	p2 =	slt.u32 s8, $0xFFFFF086  }
0x1c: {  	p1 =	slt.u32 s9, $0xF7A;
	s5 =	simm.s32 @!p2 $0x0  }
0x1d: {  	s5 =	simm.s32 @p1 $0x1;
	p0 =	seq.s32 s7, s2  }
0x1e: {  	s7 =	smul.u32 @!p0 $0xF7A, s2;
	p2 =	seq.s32 @!p0 s5, $0x0  }
0x1f: {  	s9 =	smul.u32 $0xF7A, s1;
	s8 =	simm.s32 @!p0 $0x1BF5;
	p2 =	por !p2, p0  }
0x20: {  	[sflag:s8] =	ssyncset.s32 @!p0 $0xFFFFF086;
	s6 =	sadd.s32 @!p0 s3, s7;
	s7 =	simm.s32 @!p0 $0x108  }
0x21: {  	s3 =	sadd.s32 s3, s9;
	s6 =	sadd.s32 @!p0 $0x88, s6;
	s7 =	simm.s32 @p2 $0x1082  }
0x22: {  	[simem:s7], [sflag:s8] =	dma.local @!p0 [hbm:s6], $0xF7A  }
0x23: {  	s9 =	sor.u32 $0xD0000000, s2;
	s6 =	simm.s32 $0x108;
	_ =	swait.ge @!p0 [sflag:s8], $0x0  }
0x24: {  	s3 =	sadd.s32 $0x88, s3;
	s6 =	simm.s32 @!p1 $0x1082;
	[sflag:s4] =	ssyncset.s32 $0xFFFFF086  }
0x25: {  	[simem:s6], [sflag:s4] =	dma.local [hbm:s3], $0xF7A  }
0x26: {  	[smem:$0x3F9B] =	sst s1;
	(tag) =	ssettag s2;
	_ =	strace s9  }
0x27: {  	s1 =	sld [smem:$0x3FAB]  }
0x28: {  	s2 =	sld [smem:$0x3FAC]  }
0x29: {  	s4 =	sld [smem:$0x3FAE]  }
0x2a: {  	p0 =	seq.s32 s5, $0x0;
	s5 =	sld [smem:$0x3FAF]  }
0x2b: {  	s6 =	sld [smem:$0x3FB0]  }
0x2c: {  	s7 =	sld [smem:$0x3FB1]  }
0x2d: {  	s3 =	simm.s32 $0x108;
	s8 =	sld [smem:$0x3FB2]  }
0x2e: {  	s3 =	simm.s32 @!p0 $0x1082;
	s9 =	sld [smem:$0x3FB3]  }
0x2f: {  	lr =	sadd.s32 s0, s3;
	s0 =	sld [smem:$0x3FAA]  }
0x30: {  	s3 =	sld [smem:$0x3FAD]  }
0x31: {  	[smem:$0x3FB6] =	sst s10  }
0x32: {  	s10 =	sld [smem:$0x3FB4];
	_ =	sdelay $0x3  }
0x33: {  	p0 =	seq.s32 s10, $0x1;
	s10 =	sld [smem:$0x3FB6];
	_ =	sdelay $0x3  }
0x34: {  	[smem:$0x3FB6] =	sst s10  }
0x35: {  	s10 =	sld [smem:$0x3FB5];
	_ =	sdelay $0x3  }
0x36: {  	p1 =	seq.s32 s10, $0x1;
	s10 =	sld [smem:$0x3FB6];
	_ =	sdelay $0x3  }
0x37: {  	[smem:$0x3FB6] =	sst s10  }
0x38: {  	s10 =	sld [smem:$0x3FB7]  }
0x39: {  	_ = 	snop;
	(pc) =	sbr.ind lr, $3  }
0x3a: {  	_ = 	snop  }
0x3b: {  	_ = 	snop  }
0x3c: {  	p2 =	seq.s32 s10, $0x1;
	s10 =	sld [smem:$0x3FB6]  }
0x3d: {  	_ =	shalt  }
0x3e: {  	_ =	shalt  }
0x3f: {  	_ =	shalt  }
0x40: {  	_ =	shalt  }
0x41: {  	_ =	shalt  }
0x42: {  	_ =	shalt  }
0x43: {  	_ =	shalt  }
0x44: {  	_ =	shalt  }
0x45: {  	_ =	shalt  }
0x46: {  	_ =	shalt  }
0x47: {  	_ =	shalt  }
0x48: {  	_ =	shalt  }
0x49: {  	_ =	shalt  }
0x4a: {  	_ =	shalt  }
0x4b: {  	_ =	shalt  }
0x4c: {  	_ =	shalt  }
0x4d: {  	_ =	shalt  }
0x4e: {  	_ =	shalt  }
0x4f: {  	_ =	shalt  }
0x50: {  	_ =	shalt  }
0x51: {  	_ =	shalt  }
0x52: {  	_ =	shalt  }
0x53: {  	_ =	shalt  }
0x54: {  	_ =	shalt  }
0x55: {  	_ =	shalt  }
0x56: {  	_ =	shalt  }
0x57: {  	_ =	shalt  }
0x58: {  	_ =	shalt  }
0x59: {  	_ =	shalt  }
0x5a: {  	_ =	shalt  }
0x5b: {  	_ =	shalt  }
0x5c: {  	_ =	shalt  }
0x5d: {  	_ =	shalt  }
0x5e: {  	_ =	shalt  }
0x5f: {  	_ =	shalt  }
0x60: {  	_ =	shalt  }
0x61: {  	_ =	shalt  }
0x62: {  	_ =	shalt  }
0x63: {  	_ =	shalt  }
0x64: {  	_ =	shalt  }
0x65: {  	_ =	shalt  }
0x66: {  	_ =	shalt  }
0x67: {  	_ =	shalt  }
0x68: {  	_ =	shalt  }
0x69: {  	_ =	shalt  }
0x6a: {  	_ =	shalt  }
0x6b: {  	_ =	shalt  }
0x6c: {  	_ =	shalt  }
0x6d: {  	_ =	shalt  }
0x6e: {  	_ =	shalt  }
0x6f: {  	_ =	shalt  }
0x70: {  	_ =	shalt  }
0x71: {  	_ =	shalt  }
0x72: {  	_ =	shalt  }
0x73: {  	_ =	shalt  }
0x74: {  	_ =	shalt  }
0x75: {  	_ =	shalt  }
0x76: {  	_ =	shalt  }
0x77: {  	_ =	shalt  }
0x78: {  	_ =	shalt  }
0x79: {  	_ =	shalt  }
0x7a: {  	_ =	shalt  }
0x7b: {  	_ =	shalt  }
0x7c: {  	_ =	shalt  }
0x7d: {  	_ =	shalt  }
0x7e: {  	_ =	shalt  }
0x7f: {  	_ =	shalt  }
0x80: {  	_ =	shalt  }
0x81: {  	_ =	shalt  }
0x82: {  	_ =	shalt  }
0x83: {  	_ =	shalt  }
0x84: {  	_ =	shalt  }
0x85: {  	_ =	shalt  }
0x86: {  	_ =	shalt  }
0x87: {  	_ =	shalt  }
.Lfunc_end0:
.L_simem_size_0:
called_computation_lowered:
.L_overlay_start_0:
0x88: {  	s2 =	sld [smem:$0x3FD9]  }
0x89: {  	s3 =	sld [smem:$0x3FFE];
	_ =	sdelay $0x1  }
0x8a: {  	s1 =	srdreg.scid  }
0x8b: {  	s0 =	sand.u32 $0x1, s1  }
0x8c: {  	s17 =	sshll.u32 s0, $0xA;
	s2 =	sadd.s32 s3, s2  }
0x8d: {  	s2 =	sadd.s32 s2, s17  }
0x8e: {  	[smem:$0x3FC2] =	sst s2  }
0x8f: {  	_ = 	snop  }
0x90: {  	s2 =	sld [smem:$0x3FD0];
	(tm) =	ssettm $0x1  }
0x91: {  	s18 =	sld [smem:$0x3FFB];
	_ =	sdelay $0x3  }
0x92: {  	_ =	strace s18  }
0x93: {  	s3 =	sld [smem:$0x3FFC];
	_ =	sdelay $0x3  }
0x94: {  	_ =	strace s3  }
0x95: {  	s3 =	sld [smem:$0x3FFD];
	_ =	sdelay $0x3  }
0x96: {  	_ =	strace s3  }
0x97: {  	_ =	strace $0x8FFFFFFF  }
0x98: {  	s19 =	sld [smem:$0x3FDB];
	_ =	sdelay $0x1  }
0x99: {  	s4 =	simm.s32 $_scs_section_size  }
0x9a: {  	s5 =	simm.s32 $_size__tile_overlayer_lowered;
	s6 =	simm.s32 $_tile_overlayer_lowered  }
0x9b: {  	s22 =	simm.s32 $0x1BFF;
	s21 =	sshll.u32 s6, $0x1;
	s3 =	sadd.s32 s4, s19  }
0x9c: {  	s7 =	simm.s32 $0x0;
	s20 =	sshll.u32 s5, $0x1;
	s5 =	sadd.s32 s21, s3  }
0x9d: {  	[timem:s7], [sflag:s22] =	dma.local [hbm:s5], s20  }
0x9e: {  	_ =	swait.ge [sflag:s22], s20  }
0x9f: {  	s4 =	ssub.s32 $0x0, s20;
	[sflag:s22] =	ssyncset.done $0x0  }
0xa0: {  	[sflag:s22] =	ssyncadd.s32 s4;
	_ =	sdelay $0x1  }
0xa1: {  	s23 =	simm.s32 $0x1B8B  }
0xa2: {  	_ =	swait.ge [sflag:s23], $0x1  }
0xa3: {  	[sflag:s23] =	ssyncset.done $0x0  }
0xa4: {  	s25 =	simm.s32 $0x1B8E;
	s24 =	sld [smem:$0x3FFE];
	[sflag:s23] =	ssyncadd.s32 $0xFFFFFFFF  }
0xa5: {  	s26 =	simm.s32 $execute0_lowered;
	[smem:$0x3FD2] =	sst s25  }
0xa6: {  	s5 =	sshll.u32 s26, $0x1;
	_ =	strace $0x80000046;
	[dreg:$0x1] =	wrdreg $0xFFFFFFFF  }
0xa7: {  	s28 =	simm.s32 $_size_execute0_lowered;
	s3 =	sadd.s32 s3, s5;
	[dreg:$0x0] =	wrdreg $0x0  }
0xa8: {  	s5 =	sshll.u32 s28, $0x1;
	[dreg:$0x2] =	wrdreg s3  }
0xa9: {  	[dreg:$0x3] =	wrdreg s5  }
0xaa: {  	[dreg:$0x4] =	wrdreg $0xC0  }
0xab: {  	_ =	task [dreg:s7], $0x5FFFF  }
0xac: {  	[dreg:$0x1] =	wrdreg $0xFFFFFFFF  }
0xad: {  	[dreg:$0x0] =	wrdreg $0x60  }
0xae: {  	[dreg:$0x2] =	wrdreg s2  }
0xaf: {  	[dreg:$0x3] =	wrdreg s24  }
0xb0: {  	[dreg:$0x4] =	wrdreg $0x9  }
0xb1: {  	_ =	task.clear_ibuf [dreg:s7], $0x5FFFF;
	_ =	strace $0x90000046  }
0xb2: {  	s29 =	simm.s32 $0x9;
	_ =	strace $0x80000048  }
0xb3: {  	_ =	swait.ge [sflag:s29], $0x1  }
0xb4: {  	[sflag:s29] =	ssyncadd.s32 $0xFFFFFFFF  }
0xb5: {  	_ =	strace $0x90000048  }
0xb6: {  	_ =	sfence  }
0xb7: {  	s30 =	sld [smem:$0x0];
	_ =	sdelay $0x2  }
0xb8: {  	s31 =	sshll.u32 s1, $0xD;
	s1 =	sshrl.u32 s1, $0x2  }
0xb9: {  	s3 =	sand.u32 $0x4000, s31;
	s1 =	sadd.s32 s1, s30  }
0xba: {  	s0 =	sor.u32 s3, s0;
	s1 =	sshll.u32 s1, $0x11  }
0xbb: {  	s0 =	sor.u32 s1, s0  }
0xbc: {  	s0 =	sadd.s32 $0x8F2B, s0  }
0xbd: {  	[sflag:s0] =	ssyncadd.remote.s32 $0x1  }
0xbe: {  	_ =	sfence.sel $0xFFFF  }
0xbf: {  	[dreg:$0x0] =	wrdreg $0xFFFFFFFF;
	(pc) =	sbr.abs _section_cstart, $3  }
0xc0: {  	[dreg:$0x1] =	wrdreg $0xFFFFFFFF  }
0xc1: {  	_ =	task.clear_ibuf [dreg:s7], $0x2FFFF;
	_ =	strace $0x9FFFFFFF  }
0xc2: {  	(tm) =	ssettm $0x7FFFFFFF  }
0xc3: {  	_ =	shalt  }
tec
execute0_lowered:
.L_overlay_start_1:
0x0: {  	(tag) =	ssettag $0x1  }
0x1: {  	s1 =	srdreg.scid;
	s4 =	rddreg [dreg:$0x0]  }
0x2: {  	s0 =	stileid.u32;
	s6 =	rddreg [dreg:$0x1]  }
0x3: {  	s16 =	simm.s32 $0x80;
	s17 =	simm.s32 $0x900;
	s18 =	simm.s32 $0xD00  }
0x4: {  	s20 =	simm.s32 $0x1500;
	s21 =	simm.s32 $0x1900;
	s22 =	simm.s32 $0x2100  }
0x5: {  	s23 =	simm.s32 $0x2500;
	s24 =	simm.s32 $0x2D00;
	s1 =	sand.u32 $0x1, s1  }
0x6: {  	s25 =	simm.s32 $0x3100;
	s2 =	sshll.u32 s0, $0x5;
	s3 =	sshll.u32 s1, $0x4  }
0x7: {  	s8 =	simm.s32 $0x3;
	s3 =	sor.u32 s3, s2;
	s2 =	simm.s32 $0x0  }
0x8: {  	s26 =	simm.s32 $0x3900;
	s9 =	simm.s32 $0x1;
	[smem:$0x7FF] =	sst s2  }
0x9: {  	s11 =	simm.s32 $0x4500;
	_ =	strace $0x80000047;
	[dreg:$0x7] =	wrdreg s16  }
0xa: {  	s12 =	simm.s32 $0x4900;
	s13 =	simm.s32 $0x5100;
	[dreg:$0x8] =	wrdreg s17  }
0xb: {  	s14 =	simm.s32 $0x5500;
	s28 =	simm.s32 $0xA500;
	[dreg:$0x9] =	wrdreg s18  }
0xc: {  	s29 =	simm.s32 $0xA900;
	s30 =	simm.s32 $0xB100;
	[dreg:$0xa] =	wrdreg s20  }
0xd: {  	s31 =	simm.s32 $0xB500;
	s1 =	ssub.s32 $0x2, s1;
	[dreg:$0xb] =	wrdreg s21  }
0xe: {  	s19 =	sshrl.u32 s1, $0x1;
	s5 =	sand.u32 $0xF0, s3;
	[dreg:$0xc] =	wrdreg s22  }
0xf: {  	s3 =	sadd.s32 s3, s6;
	s1 =	ssub.s32 s1, s19;
	[dreg:$0xd] =	wrdreg s23  }
0x10: {  	s19 =	simm.s32 $0x7500;
	s7 =	smul.u32 $0xC00, s5;
	[dreg:$0xe] =	wrdreg s24  }
0x11: {  	s5 =	smul.u32 $0x180, s5;
	s15 =	sadd.s32 $0xE00, s3;
	[dreg:$0xf] =	wrdreg s25  }
0x12: {  	s3 =	sadd.s32 $0xE08, s3;
	[dreg:$0x10] =	wrdreg s26;
	s16 =	simm.s32 $0x2  }
0x13: {  	s17 =	simm.s32 $0x6900;
	s18 =	simm.s32 $0x6D00;
	s20 =	simm.s32 $0x7900  }
0x14: {  	s21 =	simm.s32 $0x8100;
	s22 =	simm.s32 $0x8500;
	s23 =	simm.s32 $0x8D00  }
0x15: {  	s24 =	simm.s32 $0x9100;
	s25 =	simm.s32 $0x9900;
	[dreg:$0x5] =	wrdreg s15  }
0x16: {  	s26 =	simm.s32 $0x9D00;
	[dreg:$0x6] =	wrdreg s3;
	s3 =	sadd.s32 $0x1000, s6  }
0x17: {  	s15 =	simm.s32 $0x5D00;
	s7 =	sshrl.u32 s7, $0x3;
	s5 =	sadd.s32 s4, s5  }
0x18: {  	v2 =	vlaneseq.u32;
	s4 =	sadd.s32 s4, s7;
	[dreg:$0x3] =	wrdreg s5;
	s5 =	smax.u32 s1, $0x1  }
0x19: {  	vm0 =	vmmov $0xffff;
	vm1 =	vmmov $0xff;
	v1 =	vshrl.u32 v2, $0x3;
	s7 =	simm.s32 $0x6100;
	s1 =	simm.s32 $0xBD00;
	s4 =	sadd.s32 $0xC00, s4  }
0x1a: {  	v0 =	vand.u32 $0x7, v2;
	v2 =	vor.u32 $0x8, v2;
	v1 =	vmul.u32 $0x8, v1;
	[dreg:$0x4] =	wrdreg s4;
	s4 =	sadd.s32 $0x1100, s6;
	s6 =	simm.s32 $0x100  }
.LBB2_1:
0x1b: {  	s0 =	rddreg [dreg:$0x3]  }
0x1c: {  	[tilespmem:s6], [sflag:$0x1] =	stream.linear.gather [hbm4b:s0+s2], $0x6000, $0x38;
	[tilespmem:$0xC100] =	vst v63  }
0x1d: {  	s10 =	rddreg [dreg:$0x4]  }
0x1e: {  	[tilespmem:s7], [sflag:$0x2] =	stream.linear.gather [hbm4b:s10+s2], $0x6000, $0x38;
	[tilespmem:$0xC100] =	vst v63  }
0x1f: {  	s0 =	rddreg [dreg:$0x5]  }
0x20: {  	[tilespmem:s2], [sflag:$0x3] =	stream.linear.gather [hbm4b:s0+s2], $0x40, $0x38;
	[tilespmem:$0xC100] =	vst v63  }
0x21: {  	_ =	swait.ge [sflag:s8], $0x40  }
0x22: {  	s0 =	rddreg [dreg:$0x6];
	[sflag:s8] =	ssyncset.done $0x0  }
0x23: {  	s10 =	rddreg [dreg:$0x7];
	[sflag:s8] =	ssyncadd.s32 $0xFFFFFFC0  }
0x24: {  	[tilespmem:s10], [sflag:$0x3] =	stream.linear.gather [hbm4b:s0+s2], $0x40, $0x38;
	[tilespmem:$0xC100] =	vst v63  }
0x25: {  	_ =	swait.ge [sflag:s8], $0x40  }
0x26: {  	[sflag:s8] =	ssyncset.done $0x0  }
0x27: {  	[sflag:s8] =	ssyncadd.s32 $0xFFFFFFC0  }
0x28: {  	_ =	swait.ge [sflag:s9], $0x6000  }
0x29: {  	[sflag:s9] =	ssyncset.done $0x0  }
0x2a: {  	[sflag:s9] =	ssyncadd.s32 $0xFFFFA000  }
0x2b: {  	v3 =	vld [tilespmem:$0x0];
	_ =	sdelay $0x4  }
0x2c: {  	v4 =	vshrl.u32 v3, $0x3  }
0x2d: {  	v4 =	vmul.u32 $0x18, v4  }
0x2e: {  	v3 =	vand.u32 $0x7, v3  }
0x2f: {  	v3 =	vor.u32 v3, v4  }
0x30: {  	v4 =	vperm.xlane v3, v0;
	_ =	sdelay $0x1  }
0x31: {  	v4 =	vadd.s32 v1, v4;
	_ =	sdelay $0x1  }
0x32: {  	v3 =	vperm.xlane v3, v2;
	_ =	sdelay $0x1  }
0x33: {  	v3 =	vadd.s32 v1, v3  }
0x34: {  	[hbm4b:s3+s2] =	stream.indirect_vreg.scatter [tilespmem:s6], [sflag:$0x1], $0x80, v4, vm0, $0xb8;
	[tilespmem:$0xC100] =	vst v63  }
0x35: {  	s0 =	rddreg [dreg:$0x8]  }
0x36: {  	[hbm4b:s4+s2] =	stream.indirect_vreg.scatter [tilespmem:s0], [sflag:$0x1], $0x80, v4, vm1, $0xb8;
	[tilespmem:$0xC100] =	vst v63  }
0x37: {  	s10 =	rddreg [dreg:$0x9]  }
0x38: {  	[hbm4b:s3+s2] =	stream.indirect_vreg.scatter [tilespmem:s10], [sflag:$0x1], $0x80, v3, vm0, $0xb8;
	[tilespmem:$0xC100] =	vst v63  }
0x39: {  	s0 =	rddreg [dreg:$0xa]  }
0x3a: {  	[hbm4b:s4+s2] =	stream.indirect_vreg.scatter [tilespmem:s0], [sflag:$0x1], $0x80, v3, vm1, $0xb8;
	[tilespmem:$0xC100] =	vst v63  }
0x3b: {  	v3 =	vld [tilespmem:$0x10];
	_ =	sdelay $0x4  }
0x3c: {  	v57 =	vshrl.u32 v3, $0x3  }
0x3d: {  	v4 =	vmul.u32 $0x18, v57  }
0x3e: {  	v3 =	vand.u32 $0x7, v3  }
0x3f: {  	v3 =	vor.u32 v3, v4  }
0x40: {  	v4 =	vperm.xlane v3, v0;
	_ =	sdelay $0x1  }
0x41: {  	v4 =	vadd.s32 v1, v4;
	_ =	sdelay $0x1  }
0x42: {  	v3 =	vperm.xlane v3, v2;
	_ =	sdelay $0x1  }
0x43: {  	s0 =	rddreg [dreg:$0xb];
	v3 =	vadd.s32 v1, v3  }
0x44: {  	[hbm4b:s3+s2] =	stream.indirect_vreg.scatter [tilespmem:s0], [sflag:$0x1], $0x80, v4, vm0, $0xb8;
	[tilespmem:$0xC100] =	vst v63  }
0x45: {  	s10 =	rddreg [dreg:$0xc]  }
0x46: {  	[hbm4b:s4+s2] =	stream.indirect_vreg.scatter [tilespmem:s10], [sflag:$0x1], $0x80, v4, vm1, $0xb8;
	[tilespmem:$0xC100] =	vst v63  }
0x47: {  	s0 =	rddreg [dreg:$0xd]  }
0x48: {  	[hbm4b:s3+s2] =	stream.indirect_vreg.scatter [tilespmem:s0], [sflag:$0x1], $0x80, v3, vm0, $0xb8;
	[tilespmem:$0xC100] =	vst v63  }
0x49: {  	s10 =	rddreg [dreg:$0xe]  }
0x4a: {  	[hbm4b:s4+s2] =	stream.indirect_vreg.scatter [tilespmem:s10], [sflag:$0x1], $0x80, v3, vm1, $0xb8;
	[tilespmem:$0xC100] =	vst v63  }
0x4b: {  	v3 =	vld [tilespmem:$0x20];
	_ =	sdelay $0x4  }
0x4c: {  	v58 =	vshrl.u32 v3, $0x3  }
0x4d: {  	v4 =	vmul.u32 $0x18, v58  }
0x4e: {  	v3 =	vand.u32 $0x7, v3  }
0x4f: {  	v3 =	vor.u32 v3, v4  }
0x50: {  	v4 =	vperm.xlane v3, v0;
	_ =	sdelay $0x1  }
0x51: {  	v4 =	vadd.s32 v1, v4;
	_ =	sdelay $0x1  }
0x52: {  	v3 =	vperm.xlane v3, v2;
	_ =	sdelay $0x1  }
0x53: {  	s0 =	rddreg [dreg:$0xf];
	v3 =	vadd.s32 v1, v3  }
0x54: {  	[hbm4b:s3+s2] =	stream.indirect_vreg.scatter [tilespmem:s0], [sflag:$0x1], $0x80, v4, vm0, $0xb8;
	[tilespmem:$0xC100] =	vst v63  }
0x55: {  	s10 =	rddreg [dreg:$0x10]  }
0x56: {  	[hbm4b:s4+s2] =	stream.indirect_vreg.scatter [tilespmem:s10], [sflag:$0x1], $0x80, v4, vm1, $0xb8;
	[tilespmem:$0xC100] =	vst v63  }
0x57: {  	s10 =	simm.s32 $0x3D00  }
0x58: {  	[hbm4b:s3+s2] =	stream.indirect_vreg.scatter [tilespmem:s10], [sflag:$0x1], $0x80, v3, vm0, $0xb8;
	[tilespmem:$0xC100] =	vst v63  }
0x59: {  	_ = 	snop  }
0x5a: {  	[hbm4b:s4+s2] =	stream.indirect_vreg.scatter [tilespmem:s11], [sflag:$0x1], $0x80, v3, vm1, $0xb8;
	[tilespmem:$0xC100] =	vst v63  }
0x5b: {  	v3 =	vld [tilespmem:$0x30];
	_ =	sdelay $0x4  }
0x5c: {  	v59 =	vshrl.u32 v3, $0x3  }
0x5d: {  	v4 =	vmul.u32 $0x18, v59  }
0x5e: {  	v3 =	vand.u32 $0x7, v3  }
0x5f: {  	v3 =	vor.u32 v3, v4  }
0x60: {  	v4 =	vperm.xlane v3, v0;
	_ =	sdelay $0x1  }
0x61: {  	v4 =	vadd.s32 v1, v4;
	_ =	sdelay $0x1  }
0x62: {  	v3 =	vperm.xlane v3, v2;
	_ =	sdelay $0x1  }
0x63: {  	v3 =	vadd.s32 v1, v3  }
0x64: {  	[hbm4b:s3+s2] =	stream.indirect_vreg.scatter [tilespmem:s12], [sflag:$0x1], $0x80, v4, vm0, $0xb8;
	[tilespmem:$0xC100] =	vst v63  }
0x65: {  	_ = 	snop  }
0x66: {  	[hbm4b:s4+s2] =	stream.indirect_vreg.scatter [tilespmem:s13], [sflag:$0x1], $0x80, v4, vm1, $0xb8;
	[tilespmem:$0xC100] =	vst v63  }
0x67: {  	_ = 	snop  }
0x68: {  	[hbm4b:s3+s2] =	stream.indirect_vreg.scatter [tilespmem:s14], [sflag:$0x1], $0x80, v3, vm0, $0xb8;
	[tilespmem:$0xC100] =	vst v63  }
0x69: {  	_ = 	snop  }
0x6a: {  	[hbm4b:s4+s2] =	stream.indirect_vreg.scatter [tilespmem:s15], [sflag:$0x1], $0x80, v3, vm1, $0xb8;
	[tilespmem:$0xC100] =	vst v63  }
0x6b: {  	_ =	swait.ge [sflag:s16], $0x6000  }
0x6c: {  	[sflag:s16] =	ssyncset.done $0x0  }
0x6d: {  	[sflag:s16] =	ssyncadd.s32 $0xFFFFA000  }
0x6e: {  	v3 =	vld [tilespmem:$0x80];
	_ =	sdelay $0x4  }
0x6f: {  	v60 =	vshrl.u32 v3, $0x3  }
0x70: {  	v4 =	vmul.u32 $0x18, v60  }
0x71: {  	v3 =	vand.u32 $0x7, v3  }
0x72: {  	v3 =	vor.u32 v3, v4  }
0x73: {  	v4 =	vperm.xlane v3, v0;
	_ =	sdelay $0x1  }
0x74: {  	v4 =	vadd.s32 v1, v4;
	_ =	sdelay $0x1  }
0x75: {  	v3 =	vperm.xlane v3, v2;
	_ =	sdelay $0x1  }
0x76: {  	v3 =	vadd.s32 v1, v3  }
0x77: {  	[hbm4b:s3+s2] =	stream.indirect_vreg.scatter [tilespmem:s7], [sflag:$0x2], $0x80, v4, vm0, $0xb8;
	[tilespmem:$0xC100] =	vst v63  }
0x78: {  	_ = 	snop  }
0x79: {  	[hbm4b:s4+s2] =	stream.indirect_vreg.scatter [tilespmem:s17], [sflag:$0x2], $0x80, v4, vm1, $0xb8;
	[tilespmem:$0xC100] =	vst v63  }
0x7a: {  	_ = 	snop  }
0x7b: {  	[hbm4b:s3+s2] =	stream.indirect_vreg.scatter [tilespmem:s18], [sflag:$0x2], $0x80, v3, vm0, $0xb8;
	[tilespmem:$0xC100] =	vst v63  }
0x7c: {  	_ = 	snop  }
0x7d: {  	[hbm4b:s4+s2] =	stream.indirect_vreg.scatter [tilespmem:s19], [sflag:$0x2], $0x80, v3, vm1, $0xb8;
	[tilespmem:$0xC100] =	vst v63  }
0x7e: {  	v3 =	vld [tilespmem:$0x90];
	_ =	sdelay $0x4  }
0x7f: {  	v61 =	vshrl.u32 v3, $0x3  }
0x80: {  	v4 =	vmul.u32 $0x18, v61  }
0x81: {  	v3 =	vand.u32 $0x7, v3  }
0x82: {  	v3 =	vor.u32 v3, v4  }
0x83: {  	v4 =	vperm.xlane v3, v0;
	_ =	sdelay $0x1  }
0x84: {  	v4 =	vadd.s32 v1, v4;
	_ =	sdelay $0x1  }
0x85: {  	v3 =	vperm.xlane v3, v2;
	_ =	sdelay $0x1  }
0x86: {  	v3 =	vadd.s32 v1, v3  }
0x87: {  	[hbm4b:s3+s2] =	stream.indirect_vreg.scatter [tilespmem:s20], [sflag:$0x2], $0x80, v4, vm0, $0xb8;
	[tilespmem:$0xC100] =	vst v63  }
0x88: {  	_ = 	snop  }
0x89: {  	[hbm4b:s4+s2] =	stream.indirect_vreg.scatter [tilespmem:s21], [sflag:$0x2], $0x80, v4, vm1, $0xb8;
	[tilespmem:$0xC100] =	vst v63  }
0x8a: {  	_ = 	snop  }
0x8b: {  	[hbm4b:s3+s2] =	stream.indirect_vreg.scatter [tilespmem:s22], [sflag:$0x2], $0x80, v3, vm0, $0xb8;
	[tilespmem:$0xC100] =	vst v63  }
0x8c: {  	_ = 	snop  }
0x8d: {  	[hbm4b:s4+s2] =	stream.indirect_vreg.scatter [tilespmem:s23], [sflag:$0x2], $0x80, v3, vm1, $0xb8;
	[tilespmem:$0xC100] =	vst v63  }
0x8e: {  	v3 =	vld [tilespmem:$0xA0];
	_ =	sdelay $0x4  }
0x8f: {  	v62 =	vshrl.u32 v3, $0x3  }
0x90: {  	v4 =	vmul.u32 $0x18, v62  }
0x91: {  	v3 =	vand.u32 $0x7, v3  }
0x92: {  	v3 =	vor.u32 v3, v4  }
0x93: {  	v4 =	vperm.xlane v3, v0;
	_ =	sdelay $0x1  }
0x94: {  	v4 =	vadd.s32 v1, v4;
	_ =	sdelay $0x1  }
0x95: {  	v3 =	vperm.xlane v3, v2;
	_ =	sdelay $0x1  }
0x96: {  	v3 =	vadd.s32 v1, v3  }
0x97: {  	[hbm4b:s3+s2] =	stream.indirect_vreg.scatter [tilespmem:s24], [sflag:$0x2], $0x80, v4, vm0, $0xb8;
	[tilespmem:$0xC100] =	vst v63  }
0x98: {  	_ = 	snop  }
0x99: {  	[hbm4b:s4+s2] =	stream.indirect_vreg.scatter [tilespmem:s25], [sflag:$0x2], $0x80, v4, vm1, $0xb8;
	[tilespmem:$0xC100] =	vst v63  }
0x9a: {  	_ = 	snop  }
0x9b: {  	[hbm4b:s3+s2] =	stream.indirect_vreg.scatter [tilespmem:s26], [sflag:$0x2], $0x80, v3, vm0, $0xb8;
	[tilespmem:$0xC100] =	vst v63  }
0x9c: {  	_ = 	snop  }
0x9d: {  	[hbm4b:s4+s2] =	stream.indirect_vreg.scatter [tilespmem:s28], [sflag:$0x2], $0x80, v3, vm1, $0xb8;
	[tilespmem:$0xC100] =	vst v63  }
0x9e: {  	v3 =	vld [tilespmem:$0xB0];
	_ =	sdelay $0x4  }
0x9f: {  	v63 =	vshrl.u32 v3, $0x3  }
0xa0: {  	v4 =	vmul.u32 $0x18, v63  }
0xa1: {  	v3 =	vand.u32 $0x7, v3  }
0xa2: {  	v3 =	vor.u32 v3, v4  }
0xa3: {  	v4 =	vperm.xlane v3, v0;
	_ =	sdelay $0x1  }
0xa4: {  	v4 =	vadd.s32 v1, v4;
	_ =	sdelay $0x1  }
0xa5: {  	v3 =	vperm.xlane v3, v2;
	_ =	sdelay $0x1  }
0xa6: {  	v3 =	vadd.s32 v1, v3  }
0xa7: {  	[hbm4b:s3+s2] =	stream.indirect_vreg.scatter [tilespmem:s29], [sflag:$0x2], $0x80, v4, vm0, $0xb8;
	[tilespmem:$0xC100] =	vst v63  }
0xa8: {  	_ = 	snop  }
0xa9: {  	[hbm4b:s4+s2] =	stream.indirect_vreg.scatter [tilespmem:s30], [sflag:$0x2], $0x80, v4, vm1, $0xb8;
	[tilespmem:$0xC100] =	vst v63  }
0xaa: {  	_ = 	snop  }
0xab: {  	[hbm4b:s3+s2] =	stream.indirect_vreg.scatter [tilespmem:s31], [sflag:$0x2], $0x80, v3, vm0, $0xb8;
	[tilespmem:$0xC100] =	vst v63  }
0xac: {  	_ = 	snop  }
0xad: {  	[hbm4b:s4+s2] =	stream.indirect_vreg.scatter [tilespmem:s1], [sflag:$0x2], $0x80, v3, vm1, $0xb8;
	[tilespmem:$0xC100] =	vst v63  }
0xae: {  	p0 =	sne.s32 s5, $0x1;
	_ =	swait.ge [sflag:s9], $0x6000  }
.Ltmp0:
0xaf: {  	[sflag:s9] =	ssyncset.done $0x0;
	(pc) =	sbr.rel @p0 .LBB2_1-.Ltmp0, $4  }
0xb0: {  	[sflag:s9] =	ssyncadd.s32 $0xFFFFA000  }
0xb1: {  	_ =	swait.ge [sflag:s16], $0x6000  }
0xb2: {  	[sflag:s16] =	ssyncset.done $0x0  }
0xb3: {  	s5 =	sadd.s32 $0xFFFFFFFF, s5;
	[sflag:s16] =	ssyncadd.s32 $0xFFFFA000  }
0xb4: {  	_ =	sfence.sel $0x180000  }
0xb5: {  	[bflag:$0x0] =	sbarrier.arrive $0xFFFF  }
0xb6: {  	_ =	strace $0x90000047  }
0xb7: {  	s0 =	stileid.u32;
	[bflag:$0x2] =	sbarrier.arrive $0xFFFF  }
0xb8: {  	p0 =	sne.s32 s0, $0x0;
	s0 =	rddreg [dreg:$0x2]  }
0xb9: {  	s0 =	sadd.s32 @!p0 $0x100000, s0  }
0xba: {  	[sflag:s0] =	ssyncadd.tile.s32 @!p0 $0x1;
	_ =	shalt  }
.Lfunc_end2:
_tile_overlayer_lowered:
.L_overlay_start_2:
0xbb: {  	(tag) =	ssettag $0x2  }
0xbc: {  	s0 =	rddreg [dreg:$0x0];
	s2 =	stileid.u32  }
0xbd: {  	s1 =	rddreg [dreg:$0x1];
	p0 =	sne.s32 s2, $0x0  }
0xbe: {  	s3 =	rddreg [dreg:$0x2];
	[bflag:$0x3] =	sbarrier.arrive $0xFFFF;
	s2 =	simm.s32 @!p0 $0x1C03  }
0xbf: {  	[timem:s3], [sflag:s2] =	dma.local @!p0 [hbm:s0], s1  }
0xc0: {  	s0 =	simm.s32 @!p0 $0x3  }
0xc1: {  	_ =	swait.ge @!p0 [sflag:s0], s1  }
0xc2: {  	s1 =	ssub.s32 @!p0 $0x0, s1;
	[sflag:s0] =	ssyncset.done @!p0 $0x0  }
0xc3: {  	[sflag:s0] =	ssyncadd.s32 @!p0 s1  }
0xc4: {  	[bflag:$0x3] =	sbarrier.arrive $0xFFFF  }
0xc5: {  	_ =	shalt  }

</sc_bundles>
